<compile_context>
chip_gen: v7x
topology: tpu7x:2x2x1
jax: 0.10.2.dev20260603
libtpu: 0.0.44.dev20260713+nightly
codegen_flags: <defaults>
</compile_context>

<pallas_src>
import functools

import jax
import jax.numpy as jnp
from jax import lax
from jax.experimental import pallas as pl
from jax.experimental.pallas import tpu as pltpu
from jax.experimental.pallas import tpu_sc as plsc

NB = 4
VL = 16


def kernel(x, table):
    B, L = x.shape
    V, D = table.shape
    info = plsc.get_sparse_core_info()
    nw = info.num_cores * info.num_subcores
    b_per_w = B // nw
    nb = NB
    n_chunks = b_per_w // nb
    assert n_chunks % 2 == 0 and n_chunks >= 4
    mesh = plsc.VectorSubcoreMesh(core_axis_name="c", subcore_axis_name="s")

    @functools.partial(
        pl.kernel,
        mesh=mesh,
        out_type=jax.ShapeDtypeStruct((B, L, D), jnp.float32),
        scratch_types=[
            pltpu.VMEM((b_per_w // 2, 2 * L), jnp.int32),
            pltpu.VMEM((nb * L, 2 * D), jnp.float32),
            pltpu.VMEM((nb * L, 2 * D), jnp.float32),
            pltpu.VMEM((2, L, D), jnp.float32),
            pltpu.VMEM((2, L, D), jnp.float32),
            pltpu.SemaphoreType.DMA,
            pltpu.SemaphoreType.DMA,
            pltpu.SemaphoreType.DMA,
            pltpu.SemaphoreType.DMA,
        ],
        compiler_params=pltpu.CompilerParams(use_tc_tiling_on_sc=True),
    )
    def k(idx_hbm, table_hbm, out_hbm, idx2d,
          rows0, rows1, c0, c1, g0, g1, s0, s1):
        wid = lax.axis_index("s") * info.num_cores + lax.axis_index("c")
        base_b = wid * b_per_w
        rows = (rows0, rows1)
        cbuf = (c0, c1)
        gsem = (g0, g1)
        ssem = (s0, s1)

        pltpu.sync_copy(
            idx_hbm.at[pl.ds(wid * (b_per_w // 2), b_per_w // 2)], idx2d
        )

        def gather(i, b):
            for h in range(nb // 2):
                pltpu.make_async_copy(
                    table_hbm.at[idx2d.at[i * (nb // 2) + h]],
                    rows[b].at[pl.ds(h * 2 * L, 2 * L)], gsem[b],
                ).start()

        def wait_gather(b):
            for h in range(nb // 2):
                pltpu.make_async_copy(
                    table_hbm.at[idx2d.at[0]],
                    rows[b].at[pl.ds(0, 2 * L)], gsem[b],
                ).wait()

        def compact(b, h):
            for jj in range(2):
                @pl.loop(0, L)
                def _(r):
                    for c in range(D // VL):
                        cbuf[h][jj, r, pl.ds(c * VL, VL)] = (
                            rows[b][(2 * h + jj) * L + r, pl.ds(c * VL, VL)]
                        )

        def store(i, h):
            pltpu.make_async_copy(
                cbuf[h],
                out_hbm.at[pl.ds(base_b + i * nb + 2 * h, 2)], ssem[h],
            ).start()

        def wait_store(h):
            pltpu.make_async_copy(
                cbuf[h], out_hbm.at[pl.ds(0, 2)], ssem[h]
            ).wait()

        gather(0, 0)
        gather(1, 1)

        npairs = n_chunks // 2

        def body(p, carry):
            for b in range(2):
                i = 2 * p + b
                wait_gather(b)
                for h in range(2):
                    @pl.when(i > 0)
                    def _():
                        wait_store(h)

                    compact(b, h)
                    store(i, h)

                @pl.when(p < npairs - 1)
                def _():
                    gather(i + 2, b)

            return carry

        lax.fori_loop(0, npairs, body, 0)
        wait_store(0)
        wait_store(1)

    table_pad = jnp.pad(table, ((0, 0), (0, D)))
    return k(x.reshape(B // 2, 2 * L), table_pad)

# --- scband reference (transcript-rebuilt; emitter-appended) ---
"""Pipeline reference for scband-word-embedding-59588376265163 (READ-ONLY COPY).

The authoritative reference and input builder live on the scoring server;
editing this copy changes nothing except your own understanding.
"""

import jax, jax.numpy as jnp
import numpy as np

VOCAB = 1000000
EMBED = 64
B = 16384
L = 50

def setup_inputs(seed: int = 0) -> dict:
    key = jax.random.key(seed)
    k1, k2 = jax.random.split(key)
    x = jax.random.randint(k1, (B, L), 0, VOCAB, dtype=jnp.int64 if jax.config.jax_enable_x64 else jnp.int32)
    table = jax.random.normal(k2, (VOCAB, EMBED), dtype=jnp.float32)
    return {"x": x, "table": table}

def reference(x, table):
    # WordEmbedding.forward: nn.Embedding lookup
    return jnp.take(table, x, axis=0)

if __name__ == "__main__":
    import jax
    _d = setup_inputs()
    print(jax.jit(kernel)(*tuple(_d.values())))

</pallas_src>

<mosaic_0001>
#map = affine_map<(d0, d1) -> (0, 0)>
#map1 = affine_map<(d0, d1) -> (0, 0, 0)>
module attributes {stable_mosaic.version = 14 : i64} {
  func.func @k(%arg0: i32, %arg1: i32, %arg2: memref<8192x100xi32, #tpu.memory_space<hbm>>, %arg3: memref<1000000x128xf32, #tpu.memory_space<hbm>>, %arg4: memref<16384x50x64xf32, #tpu.memory_space<hbm>>, %arg5: memref<256x100xi32, #tpu.memory_space<vmem>>, %arg6: memref<200x128xf32, #tpu.memory_space<vmem>>, %arg7: memref<200x128xf32, #tpu.memory_space<vmem>>, %arg8: memref<2x50x64xf32, #tpu.memory_space<vmem>>, %arg9: memref<2x50x64xf32, #tpu.memory_space<vmem>>, %arg10: memref<!tpu.dma_semaphore, #tpu.memory_space<semaphore_mem>>, %arg11: memref<!tpu.dma_semaphore, #tpu.memory_space<semaphore_mem>>, %arg12: memref<!tpu.dma_semaphore, #tpu.memory_space<semaphore_mem>>, %arg13: memref<!tpu.dma_semaphore, #tpu.memory_space<semaphore_mem>>) attributes {dimension_semantics = [#tpu.dimension_semantics<core_parallel>, #tpu.dimension_semantics<subcore_parallel>], iteration_bounds = array<i64: 2, 16>, scalar_prefetch = 0 : i64, scratch_operands = 9 : i64, tpu.core_type = #tpu.core_type<sc_vector_subcore>, window_params = [{transform_indices = #map}, {transform_indices = #map}, {transform_indices = #map1}]} {
    %mul3A = arith.constant 2 : i32
    %mul3A_0 = arith.muli %arg1, %mul3A : i32
    %add3A = arith.addi %mul3A_0, %arg0 : i32
    %mul3A_1 = arith.constant 512 : i32
    %mul3A_2 = arith.muli %add3A, %mul3A_1 : i32
    %mul3A_3 = arith.constant 256 : i32
    %mul3A_4 = arith.muli %add3A, %mul3A_3 : i32
    "tpu.region"() ({
      %run_scoped3A = tpu.sem_alloc : memref<!tpu.dma_semaphore, #tpu.memory_space<semaphore_mem>>
      %dma_start3A_64 = arith.constant 0 : i32
      %dma_start3A_65 = tpu.memref_slice %arg2[%mul3A_4, %dma_start3A_64] : memref<8192x100xi32, #tpu.memory_space<hbm>> -> memref<256x100xi32, #tpu.memory_space<hbm>>
      %dma_start3A_66 = arith.constant 0 : i32
      %dma_start3A_67 = tpu.memref_slice %arg2[%mul3A_4, %dma_start3A_66] : memref<8192x100xi32, #tpu.memory_space<hbm>> -> memref<256x100xi32, #tpu.memory_space<hbm>>
      tpu.enqueue_dma source(%dma_start3A_67 : memref<256x100xi32, #tpu.memory_space<hbm>>) target(%arg5 : memref<256x100xi32, #tpu.memory_space<vmem>>) target_semaphore(%run_scoped3A : memref<!tpu.dma_semaphore, #tpu.memory_space<semaphore_mem>>)
      %dma_wait3A_68 = arith.constant 0 : i32
      %dma_wait3A_69 = tpu.memref_slice %arg2[%mul3A_4, %dma_wait3A_68] : memref<8192x100xi32, #tpu.memory_space<hbm>> -> memref<256x100xi32, #tpu.memory_space<hbm>>
      %dma_wait3A_70 = arith.constant 0 : i32
      %dma_wait3A_71 = tpu.memref_slice %arg2[%mul3A_4, %dma_wait3A_70] : memref<8192x100xi32, #tpu.memory_space<hbm>> -> memref<256x100xi32, #tpu.memory_space<hbm>>
      tpu.wait_dma2 semaphore(%run_scoped3A : memref<!tpu.dma_semaphore, #tpu.memory_space<semaphore_mem>>) src(%dma_wait3A_71 : memref<256x100xi32, #tpu.memory_space<hbm>>) dst(%arg5 : memref<256x100xi32, #tpu.memory_space<vmem>>)
      tpu.yield
    }) : () -> ()
    %dma_start3A = arith.constant 0 : i32
    %dma_start3A_5 = arith.constant 0 : i32
    %dma_start3A_6 = arith.constant 0 : i32
    %dma_start3A_7 = tpu.memref_slice %arg6[%dma_start3A_5, %dma_start3A_6] : memref<200x128xf32, #tpu.memory_space<vmem>> -> memref<100x128xf32, #tpu.memory_space<vmem>>
    %dma_start3A_8 = arith.constant 0 : i32
    %dma_start3A_9 = tpu.memref_slice %arg5[%dma_start3A, %dma_start3A_8] : memref<256x100xi32, #tpu.memory_space<vmem>> -> memref<1x100xi32, #tpu.memory_space<vmem>>
    %dma_start3A_10 = tpu.memref_squeeze %dma_start3A_9 : memref<1x100xi32, #tpu.memory_space<vmem>> -> memref<100xi32, #tpu.memory_space<vmem>>
    %dma_start3A_11 = arith.constant 0 : i32
    %dma_start3A_12 = arith.constant 0 : i32
    %dma_start3A_13 = tpu.memref_slice %arg3[%dma_start3A_11, %dma_start3A_12] : memref<1000000x128xf32, #tpu.memory_space<hbm>> -> memref<1000000x128xf32, #tpu.memory_space<hbm>>
    tpu.enqueue_indirect_dma source(%dma_start3A_13 : memref<1000000x128xf32, #tpu.memory_space<hbm>>) target(%dma_start3A_7 : memref<100x128xf32, #tpu.memory_space<vmem>>) offsets(%dma_start3A_10 : memref<100xi32, #tpu.memory_space<vmem>>) semaphore(%arg10 : memref<!tpu.dma_semaphore, #tpu.memory_space<semaphore_mem>>)
    %dma_start3A_14 = arith.constant 1 : i32
    %dma_start3A_15 = arith.constant 100 : i32
    %dma_start3A_16 = arith.constant 0 : i32
    %dma_start3A_17 = tpu.memref_slice %arg6[%dma_start3A_15, %dma_start3A_16] : memref<200x128xf32, #tpu.memory_space<vmem>> -> memref<100x128xf32, #tpu.memory_space<vmem>>
    %dma_start3A_18 = arith.constant 0 : i32
    %dma_start3A_19 = tpu.memref_slice %arg5[%dma_start3A_14, %dma_start3A_18] : memref<256x100xi32, #tpu.memory_space<vmem>> -> memref<1x100xi32, #tpu.memory_space<vmem>>
    %dma_start3A_20 = tpu.memref_squeeze %dma_start3A_19 : memref<1x100xi32, #tpu.memory_space<vmem>> -> memref<100xi32, #tpu.memory_space<vmem>>
    %dma_start3A_21 = arith.constant 0 : i32
    %dma_start3A_22 = arith.constant 0 : i32
    %dma_start3A_23 = tpu.memref_slice %arg3[%dma_start3A_21, %dma_start3A_22] : memref<1000000x128xf32, #tpu.memory_space<hbm>> -> memref<1000000x128xf32, #tpu.memory_space<hbm>>
    tpu.enqueue_indirect_dma source(%dma_start3A_23 : memref<1000000x128xf32, #tpu.memory_space<hbm>>) target(%dma_start3A_17 : memref<100x128xf32, #tpu.memory_space<vmem>>) offsets(%dma_start3A_20 : memref<100xi32, #tpu.memory_space<vmem>>) semaphore(%arg10 : memref<!tpu.dma_semaphore, #tpu.memory_space<semaphore_mem>>)
    %dma_start3A_24 = arith.constant 2 : i32
    %dma_start3A_25 = arith.constant 0 : i32
    %dma_start3A_26 = arith.constant 0 : i32
    %dma_start3A_27 = tpu.memref_slice %arg7[%dma_start3A_25, %dma_start3A_26] : memref<200x128xf32, #tpu.memory_space<vmem>> -> memref<100x128xf32, #tpu.memory_space<vmem>>
    %dma_start3A_28 = arith.constant 0 : i32
    %dma_start3A_29 = tpu.memref_slice %arg5[%dma_start3A_24, %dma_start3A_28] : memref<256x100xi32, #tpu.memory_space<vmem>> -> memref<1x100xi32, #tpu.memory_space<vmem>>
    %dma_start3A_30 = tpu.memref_squeeze %dma_start3A_29 : memref<1x100xi32, #tpu.memory_space<vmem>> -> memref<100xi32, #tpu.memory_space<vmem>>
    %dma_start3A_31 = arith.constant 0 : i32
    %dma_start3A_32 = arith.constant 0 : i32
    %dma_start3A_33 = tpu.memref_slice %arg3[%dma_start3A_31, %dma_start3A_32] : memref<1000000x128xf32, #tpu.memory_space<hbm>> -> memref<1000000x128xf32, #tpu.memory_space<hbm>>
    tpu.enqueue_indirect_dma source(%dma_start3A_33 : memref<1000000x128xf32, #tpu.memory_space<hbm>>) target(%dma_start3A_27 : memref<100x128xf32, #tpu.memory_space<vmem>>) offsets(%dma_start3A_30 : memref<100xi32, #tpu.memory_space<vmem>>) semaphore(%arg11 : memref<!tpu.dma_semaphore, #tpu.memory_space<semaphore_mem>>)
    %dma_start3A_34 = arith.constant 3 : i32
    %dma_start3A_35 = arith.constant 100 : i32
    %dma_start3A_36 = arith.constant 0 : i32
    %dma_start3A_37 = tpu.memref_slice %arg7[%dma_start3A_35, %dma_start3A_36] : memref<200x128xf32, #tpu.memory_space<vmem>> -> memref<100x128xf32, #tpu.memory_space<vmem>>
    %dma_start3A_38 = arith.constant 0 : i32
    %dma_start3A_39 = tpu.memref_slice %arg5[%dma_start3A_34, %dma_start3A_38] : memref<256x100xi32, #tpu.memory_space<vmem>> -> memref<1x100xi32, #tpu.memory_space<vmem>>
    %dma_start3A_40 = tpu.memref_squeeze %dma_start3A_39 : memref<1x100xi32, #tpu.memory_space<vmem>> -> memref<100xi32, #tpu.memory_space<vmem>>
    %dma_start3A_41 = arith.constant 0 : i32
    %dma_start3A_42 = arith.constant 0 : i32
    %dma_start3A_43 = tpu.memref_slice %arg3[%dma_start3A_41, %dma_start3A_42] : memref<1000000x128xf32, #tpu.memory_space<hbm>> -> memref<1000000x128xf32, #tpu.memory_space<hbm>>
    tpu.enqueue_indirect_dma source(%dma_start3A_43 : memref<1000000x128xf32, #tpu.memory_space<hbm>>) target(%dma_start3A_37 : memref<100x128xf32, #tpu.memory_space<vmem>>) offsets(%dma_start3A_40 : memref<100xi32, #tpu.memory_space<vmem>>) semaphore(%arg11 : memref<!tpu.dma_semaphore, #tpu.memory_space<semaphore_mem>>)
    %scan3A = arith.constant 0 : i32
    %scan3A_44 = arith.constant 0 : i32
    %scan3A_45 = arith.constant 64 : i32
    %scan3A_46 = arith.addi %scan3A_44, %scan3A_45 : i32
    %scan3A_47 = arith.constant 1 : i32
    scf.for %scan3A_64 = %scan3A_44 to %scan3A_46 step %scan3A_47  : i32 {
      %mul3A_65 = arith.constant 2 : i32
      %mul3A_66 = arith.muli %mul3A_65, %scan3A_64 : i32
      %add3A_67 = arith.constant 0 : i32
      %add3A_68 = arith.addi %mul3A_66, %add3A_67 : i32
      %dma_wait3A_69 = arith.constant 0 : i32
      %dma_wait3A_70 = arith.constant 0 : i32
      %dma_wait3A_71 = arith.constant 0 : i32
      %dma_wait3A_72 = tpu.memref_slice %arg6[%dma_wait3A_70, %dma_wait3A_71] : memref<200x128xf32, #tpu.memory_space<vmem>> -> memref<100x128xf32, #tpu.memory_space<vmem>>
      %dma_wait3A_73 = arith.constant 0 : i32
      %dma_wait3A_74 = tpu.memref_slice %arg5[%dma_wait3A_69, %dma_wait3A_73] : memref<256x100xi32, #tpu.memory_space<vmem>> -> memref<1x100xi32, #tpu.memory_space<vmem>>
      %dma_wait3A_75 = tpu.memref_squeeze %dma_wait3A_74 : memref<1x100xi32, #tpu.memory_space<vmem>> -> memref<100xi32, #tpu.memory_space<vmem>>
      %dma_wait3A_76 = arith.constant 0 : i32
      %dma_wait3A_77 = arith.constant 0 : i32
      %dma_wait3A_78 = tpu.memref_slice %arg3[%dma_wait3A_76, %dma_wait3A_77] : memref<1000000x128xf32, #tpu.memory_space<hbm>> -> memref<1000000x128xf32, #tpu.memory_space<hbm>>
      tpu.wait_indirect_dma semaphore(%arg10 : memref<!tpu.dma_semaphore, #tpu.memory_space<semaphore_mem>>) src(%dma_wait3A_78 : memref<1000000x128xf32, #tpu.memory_space<hbm>>) dst(%dma_wait3A_72 : memref<100x128xf32, #tpu.memory_space<vmem>>)
      %dma_wait3A_79 = arith.constant 0 : i32
      %dma_wait3A_80 = arith.constant 0 : i32
      %dma_wait3A_81 = arith.constant 0 : i32
      %dma_wait3A_82 = tpu.memref_slice %arg6[%dma_wait3A_80, %dma_wait3A_81] : memref<200x128xf32, #tpu.memory_space<vmem>> -> memref<100x128xf32, #tpu.memory_space<vmem>>
      %dma_wait3A_83 = arith.constant 0 : i32
      %dma_wait3A_84 = tpu.memref_slice %arg5[%dma_wait3A_79, %dma_wait3A_83] : memref<256x100xi32, #tpu.memory_space<vmem>> -> memref<1x100xi32, #tpu.memory_space<vmem>>
      %dma_wait3A_85 = tpu.memref_squeeze %dma_wait3A_84 : memref<1x100xi32, #tpu.memory_space<vmem>> -> memref<100xi32, #tpu.memory_space<vmem>>
      %dma_wait3A_86 = arith.constant 0 : i32
      %dma_wait3A_87 = arith.constant 0 : i32
      %dma_wait3A_88 = tpu.memref_slice %arg3[%dma_wait3A_86, %dma_wait3A_87] : memref<1000000x128xf32, #tpu.memory_space<hbm>> -> memref<1000000x128xf32, #tpu.memory_space<hbm>>
      tpu.wait_indirect_dma semaphore(%arg10 : memref<!tpu.dma_semaphore, #tpu.memory_space<semaphore_mem>>) src(%dma_wait3A_88 : memref<1000000x128xf32, #tpu.memory_space<hbm>>) dst(%dma_wait3A_82 : memref<100x128xf32, #tpu.memory_space<vmem>>)
      %gt3A = arith.constant 0 : i32
      %gt3A_89 = arith.cmpi sgt, %add3A_68, %gt3A : i32
      %convert_element_type3A = arith.extui %gt3A_89 : i1 to i32
      %cond3A = arith.constant 0 : i32
      %cond3A_90 = arith.cmpi ne, %convert_element_type3A, %cond3A : i32
      scf.if %cond3A_90 {
        %dma_wait3A_223 = arith.constant 0 : i32
        %dma_wait3A_224 = arith.constant 0 : i32
        %dma_wait3A_225 = arith.constant 0 : i32
        %dma_wait3A_226 = tpu.memref_slice %arg4[%dma_wait3A_223, %dma_wait3A_224, %dma_wait3A_225] : memref<16384x50x64xf32, #tpu.memory_space<hbm>> -> memref<2x50x64xf32, #tpu.memory_space<hbm>>
        %dma_wait3A_227 = arith.constant 0 : i32
        %dma_wait3A_228 = arith.constant 0 : i32
        %dma_wait3A_229 = arith.constant 0 : i32
        %dma_wait3A_230 = tpu.memref_slice %arg4[%dma_wait3A_227, %dma_wait3A_228, %dma_wait3A_229] : memref<16384x50x64xf32, #tpu.memory_space<hbm>> -> memref<2x50x64xf32, #tpu.memory_space<hbm>>
        tpu.wait_dma2 semaphore(%arg12 : memref<!tpu.dma_semaphore, #tpu.memory_space<semaphore_mem>>) src(%arg8 : memref<2x50x64xf32, #tpu.memory_space<vmem>>) dst(%dma_wait3A_230 : memref<2x50x64xf32, #tpu.memory_space<hbm>>)
      } else {
      }
      %scan3A_91 = arith.constant 0 : i32
      %scan3A_92 = arith.constant 50 : i32
      %scan3A_93 = arith.addi %scan3A_91, %scan3A_92 : i32
      %scan3A_94 = arith.constant 1 : i32
      scf.for %scan3A_223 = %scan3A_91 to %scan3A_93 step %scan3A_94  : i32 {
        %mul3A_224 = arith.constant 1 : i32
        %mul3A_225 = arith.muli %scan3A_223, %mul3A_224 : i32
        %add3A_226 = arith.constant 0 : i32
        %add3A_227 = arith.addi %add3A_226, %mul3A_225 : i32
        %add3A_228 = arith.constant 0 : i32
        %add3A_229 = arith.addi %add3A_228, %add3A_227 : i32
        %get3A = arith.index_cast %add3A_229 : i32 to index
        %get3A_230 = arith.constant 0 : index
        %get3A_231 = tpu.vector_load %arg6[%get3A, %get3A_230] {strides = array<i32>} : memref<200x128xf32, #tpu.memory_space<vmem>>, vector<1x16xf32>,
        %get3A_232 = vector.shape_cast %get3A_231 : vector<1x16xf32> to vector<16xf32>
        %swap3A = arith.constant 0 : i32
        %swap3A_233 = arith.index_cast %swap3A : i32 to index
        %swap3A_234 = arith.index_cast %add3A_227 : i32 to index
        %swap3A_235 = arith.constant 0 : index
        %swap3A_236 = tpu.vector_load %arg8[%swap3A_233, %swap3A_234, %swap3A_235] {strides = array<i32>} : memref<2x50x64xf32, #tpu.memory_space<vmem>>, vector<1x1x16xf32>,
        %swap3A_237 = vector.shape_cast %swap3A_236 : vector<1x1x16xf32> to vector<16xf32>
        %swap3A_238 = vector.shape_cast %get3A_232 : vector<16xf32> to vector<1x1x16xf32>
        tpu.vector_store %arg8[%swap3A_233, %swap3A_234, %swap3A_235], %swap3A_238 {strides = array<i32>} : memref<2x50x64xf32, #tpu.memory_space<vmem>>, vector<1x1x16xf32>,
        %add3A_239 = arith.constant 0 : i32
        %add3A_240 = arith.addi %add3A_239, %add3A_227 : i32
        %get3A_241 = arith.index_cast %add3A_240 : i32 to index
        %get3A_242 = arith.constant 16 : index
        %get3A_243 = tpu.vector_load %arg6[%get3A_241, %get3A_242] {strides = array<i32>} : memref<200x128xf32, #tpu.memory_space<vmem>>, vector<1x16xf32>,
        %get3A_244 = vector.shape_cast %get3A_243 : vector<1x16xf32> to vector<16xf32>
        %swap3A_245 = arith.constant 0 : i32
        %swap3A_246 = arith.index_cast %swap3A_245 : i32 to index
        %swap3A_247 = arith.index_cast %add3A_227 : i32 to index
        %swap3A_248 = arith.constant 16 : index
        %swap3A_249 = tpu.vector_load %arg8[%swap3A_246, %swap3A_247, %swap3A_248] {strides = array<i32>} : memref<2x50x64xf32, #tpu.memory_space<vmem>>, vector<1x1x16xf32>,
        %swap3A_250 = vector.shape_cast %swap3A_249 : vector<1x1x16xf32> to vector<16xf32>
        %swap3A_251 = vector.shape_cast %get3A_244 : vector<16xf32> to vector<1x1x16xf32>
        tpu.vector_store %arg8[%swap3A_246, %swap3A_247, %swap3A_248], %swap3A_251 {strides = array<i32>} : memref<2x50x64xf32, #tpu.memory_space<vmem>>, vector<1x1x16xf32>,
        %add3A_252 = arith.constant 0 : i32
        %add3A_253 = arith.addi %add3A_252, %add3A_227 : i32
        %get3A_254 = arith.index_cast %add3A_253 : i32 to index
        %get3A_255 = arith.constant 32 : index
        %get3A_256 = tpu.vector_load %arg6[%get3A_254, %get3A_255] {strides = array<i32>} : memref<200x128xf32, #tpu.memory_space<vmem>>, vector<1x16xf32>,
        %get3A_257 = vector.shape_cast %get3A_256 : vector<1x16xf32> to vector<16xf32>
        %swap3A_258 = arith.constant 0 : i32
        %swap3A_259 = arith.index_cast %swap3A_258 : i32 to index
        %swap3A_260 = arith.index_cast %add3A_227 : i32 to index
        %swap3A_261 = arith.constant 32 : index
        %swap3A_262 = tpu.vector_load %arg8[%swap3A_259, %swap3A_260, %swap3A_261] {strides = array<i32>} : memref<2x50x64xf32, #tpu.memory_space<vmem>>, vector<1x1x16xf32>,
        %swap3A_263 = vector.shape_cast %swap3A_262 : vector<1x1x16xf32> to vector<16xf32>
        %swap3A_264 = vector.shape_cast %get3A_257 : vector<16xf32> to vector<1x1x16xf32>
        tpu.vector_store %arg8[%swap3A_259, %swap3A_260, %swap3A_261], %swap3A_264 {strides = array<i32>} : memref<2x50x64xf32, #tpu.memory_space<vmem>>, vector<1x1x16xf32>,
        %add3A_265 = arith.constant 0 : i32
        %add3A_266 = arith.addi %add3A_265, %add3A_227 : i32
        %get3A_267 = arith.index_cast %add3A_266 : i32 to index
        %get3A_268 = arith.constant 48 : index
        %get3A_269 = tpu.vector_load %arg6[%get3A_267, %get3A_268] {strides = array<i32>} : memref<200x128xf32, #tpu.memory_space<vmem>>, vector<1x16xf32>,
        %get3A_270 = vector.shape_cast %get3A_269 : vector<1x16xf32> to vector<16xf32>
        %swap3A_271 = arith.constant 0 : i32
        %swap3A_272 = arith.index_cast %swap3A_271 : i32 to index
        %swap3A_273 = arith.index_cast %add3A_227 : i32 to index
        %swap3A_274 = arith.constant 48 : index
        %swap3A_275 = tpu.vector_load %arg8[%swap3A_272, %swap3A_273, %swap3A_274] {strides = array<i32>} : memref<2x50x64xf32, #tpu.memory_space<vmem>>, vector<1x1x16xf32>,
        %swap3A_276 = vector.shape_cast %swap3A_275 : vector<1x1x16xf32> to vector<16xf32>
        %swap3A_277 = vector.shape_cast %get3A_270 : vector<16xf32> to vector<1x1x16xf32>
        tpu.vector_store %arg8[%swap3A_272, %swap3A_273, %swap3A_274], %swap3A_277 {strides = array<i32>} : memref<2x50x64xf32, #tpu.memory_space<vmem>>, vector<1x1x16xf32>,
      }
      %scan3A_95 = arith.constant 50 : i32
      %scan3A_96 = arith.constant 0 : i32
      %scan3A_97 = arith.constant 50 : i32
      %scan3A_98 = arith.addi %scan3A_96, %scan3A_97 : i32
      %scan3A_99 = arith.constant 1 : i32
      scf.for %scan3A_223 = %scan3A_96 to %scan3A_98 step %scan3A_99  : i32 {
        %mul3A_224 = arith.constant 1 : i32
        %mul3A_225 = arith.muli %scan3A_223, %mul3A_224 : i32
        %add3A_226 = arith.constant 0 : i32
        %add3A_227 = arith.addi %add3A_226, %mul3A_225 : i32
        %add3A_228 = arith.constant 50 : i32
        %add3A_229 = arith.addi %add3A_228, %add3A_227 : i32
        %get3A = arith.index_cast %add3A_229 : i32 to index
        %get3A_230 = arith.constant 0 : index
        %get3A_231 = tpu.vector_load %arg6[%get3A, %get3A_230] {strides = array<i32>} : memref<200x128xf32, #tpu.memory_space<vmem>>, vector<1x16xf32>,
        %get3A_232 = vector.shape_cast %get3A_231 : vector<1x16xf32> to vector<16xf32>
        %swap3A = arith.constant 1 : i32
        %swap3A_233 = arith.index_cast %swap3A : i32 to index
        %swap3A_234 = arith.index_cast %add3A_227 : i32 to index
        %swap3A_235 = arith.constant 0 : index
        %swap3A_236 = tpu.vector_load %arg8[%swap3A_233, %swap3A_234, %swap3A_235] {strides = array<i32>} : memref<2x50x64xf32, #tpu.memory_space<vmem>>, vector<1x1x16xf32>,
        %swap3A_237 = vector.shape_cast %swap3A_236 : vector<1x1x16xf32> to vector<16xf32>
        %swap3A_238 = vector.shape_cast %get3A_232 : vector<16xf32> to vector<1x1x16xf32>
        tpu.vector_store %arg8[%swap3A_233, %swap3A_234, %swap3A_235], %swap3A_238 {strides = array<i32>} : memref<2x50x64xf32, #tpu.memory_space<vmem>>, vector<1x1x16xf32>,
        %add3A_239 = arith.constant 50 : i32
        %add3A_240 = arith.addi %add3A_239, %add3A_227 : i32
        %get3A_241 = arith.index_cast %add3A_240 : i32 to index
        %get3A_242 = arith.constant 16 : index
        %get3A_243 = tpu.vector_load %arg6[%get3A_241, %get3A_242] {strides = array<i32>} : memref<200x128xf32, #tpu.memory_space<vmem>>, vector<1x16xf32>,
        %get3A_244 = vector.shape_cast %get3A_243 : vector<1x16xf32> to vector<16xf32>
        %swap3A_245 = arith.constant 1 : i32
        %swap3A_246 = arith.index_cast %swap3A_245 : i32 to index
        %swap3A_247 = arith.index_cast %add3A_227 : i32 to index
        %swap3A_248 = arith.constant 16 : index
        %swap3A_249 = tpu.vector_load %arg8[%swap3A_246, %swap3A_247, %swap3A_248] {strides = array<i32>} : memref<2x50x64xf32, #tpu.memory_space<vmem>>, vector<1x1x16xf32>,
        %swap3A_250 = vector.shape_cast %swap3A_249 : vector<1x1x16xf32> to vector<16xf32>
        %swap3A_251 = vector.shape_cast %get3A_244 : vector<16xf32> to vector<1x1x16xf32>
        tpu.vector_store %arg8[%swap3A_246, %swap3A_247, %swap3A_248], %swap3A_251 {strides = array<i32>} : memref<2x50x64xf32, #tpu.memory_space<vmem>>, vector<1x1x16xf32>,
        %add3A_252 = arith.constant 50 : i32
        %add3A_253 = arith.addi %add3A_252, %add3A_227 : i32
        %get3A_254 = arith.index_cast %add3A_253 : i32 to index
        %get3A_255 = arith.constant 32 : index
        %get3A_256 = tpu.vector_load %arg6[%get3A_254, %get3A_255] {strides = array<i32>} : memref<200x128xf32, #tpu.memory_space<vmem>>, vector<1x16xf32>,
        %get3A_257 = vector.shape_cast %get3A_256 : vector<1x16xf32> to vector<16xf32>
        %swap3A_258 = arith.constant 1 : i32
        %swap3A_259 = arith.index_cast %swap3A_258 : i32 to index
        %swap3A_260 = arith.index_cast %add3A_227 : i32 to index
        %swap3A_261 = arith.constant 32 : index
        %swap3A_262 = tpu.vector_load %arg8[%swap3A_259, %swap3A_260, %swap3A_261] {strides = array<i32>} : memref<2x50x64xf32, #tpu.memory_space<vmem>>, vector<1x1x16xf32>,
        %swap3A_263 = vector.shape_cast %swap3A_262 : vector<1x1x16xf32> to vector<16xf32>
        %swap3A_264 = vector.shape_cast %get3A_257 : vector<16xf32> to vector<1x1x16xf32>
        tpu.vector_store %arg8[%swap3A_259, %swap3A_260, %swap3A_261], %swap3A_264 {strides = array<i32>} : memref<2x50x64xf32, #tpu.memory_space<vmem>>, vector<1x1x16xf32>,
        %add3A_265 = arith.constant 50 : i32
        %add3A_266 = arith.addi %add3A_265, %add3A_227 : i32
        %get3A_267 = arith.index_cast %add3A_266 : i32 to index
        %get3A_268 = arith.constant 48 : index
        %get3A_269 = tpu.vector_load %arg6[%get3A_267, %get3A_268] {strides = array<i32>} : memref<200x128xf32, #tpu.memory_space<vmem>>, vector<1x16xf32>,
        %get3A_270 = vector.shape_cast %get3A_269 : vector<1x16xf32> to vector<16xf32>
        %swap3A_271 = arith.constant 1 : i32
        %swap3A_272 = arith.index_cast %swap3A_271 : i32 to index
        %swap3A_273 = arith.index_cast %add3A_227 : i32 to index
        %swap3A_274 = arith.constant 48 : index
        %swap3A_275 = tpu.vector_load %arg8[%swap3A_272, %swap3A_273, %swap3A_274] {strides = array<i32>} : memref<2x50x64xf32, #tpu.memory_space<vmem>>, vector<1x1x16xf32>,
        %swap3A_276 = vector.shape_cast %swap3A_275 : vector<1x1x16xf32> to vector<16xf32>
        %swap3A_277 = vector.shape_cast %get3A_270 : vector<16xf32> to vector<1x1x16xf32>
        tpu.vector_store %arg8[%swap3A_272, %swap3A_273, %swap3A_274], %swap3A_277 {strides = array<i32>} : memref<2x50x64xf32, #tpu.memory_space<vmem>>, vector<1x1x16xf32>,
      }
      %scan3A_100 = arith.constant 50 : i32
      %mul3A_101 = arith.constant 4 : i32
      %mul3A_102 = arith.muli %add3A_68, %mul3A_101 : i32
      %add3A_103 = arith.addi %mul3A_2, %mul3A_102 : i32
      %add3A_104 = arith.constant 0 : i32
      %add3A_105 = arith.addi %add3A_103, %add3A_104 : i32
      %dma_start3A_106 = arith.constant 0 : i32
      %dma_start3A_107 = arith.constant 0 : i32
      %dma_start3A_108 = tpu.memref_slice %arg4[%add3A_105, %dma_start3A_106, %dma_start3A_107] : memref<16384x50x64xf32, #tpu.memory_space<hbm>> -> memref<2x50x64xf32, #tpu.memory_space<hbm>>
      %dma_start3A_109 = arith.constant 0 : i32
      %dma_start3A_110 = arith.constant 0 : i32
      %dma_start3A_111 = tpu.memref_slice %arg4[%add3A_105, %dma_start3A_109, %dma_start3A_110] : memref<16384x50x64xf32, #tpu.memory_space<hbm>> -> memref<2x50x64xf32, #tpu.memory_space<hbm>>
      tpu.enqueue_dma source(%arg8 : memref<2x50x64xf32, #tpu.memory_space<vmem>>) target(%dma_start3A_111 : memref<2x50x64xf32, #tpu.memory_space<hbm>>) target_semaphore(%arg12 : memref<!tpu.dma_semaphore, #tpu.memory_space<semaphore_mem>>)
      %gt3A_112 = arith.constant 0 : i32
      %gt3A_113 = arith.cmpi sgt, %add3A_68, %gt3A_112 : i32
      %convert_element_type3A_114 = arith.extui %gt3A_113 : i1 to i32
      %cond3A_115 = arith.constant 0 : i32
      %cond3A_116 = arith.cmpi ne, %convert_element_type3A_114, %cond3A_115 : i32
      scf.if %cond3A_116 {
        %dma_wait3A_223 = arith.constant 0 : i32
        %dma_wait3A_224 = arith.constant 0 : i32
        %dma_wait3A_225 = arith.constant 0 : i32
        %dma_wait3A_226 = tpu.memref_slice %arg4[%dma_wait3A_223, %dma_wait3A_224, %dma_wait3A_225] : memref<16384x50x64xf32, #tpu.memory_space<hbm>> -> memref<2x50x64xf32, #tpu.memory_space<hbm>>
        %dma_wait3A_227 = arith.constant 0 : i32
        %dma_wait3A_228 = arith.constant 0 : i32
        %dma_wait3A_229 = arith.constant 0 : i32
        %dma_wait3A_230 = tpu.memref_slice %arg4[%dma_wait3A_227, %dma_wait3A_228, %dma_wait3A_229] : memref<16384x50x64xf32, #tpu.memory_space<hbm>> -> memref<2x50x64xf32, #tpu.memory_space<hbm>>
        tpu.wait_dma2 semaphore(%arg13 : memref<!tpu.dma_semaphore, #tpu.memory_space<semaphore_mem>>) src(%arg9 : memref<2x50x64xf32, #tpu.memory_space<vmem>>) dst(%dma_wait3A_230 : memref<2x50x64xf32, #tpu.memory_space<hbm>>)
      } else {
      }
      %scan3A_117 = arith.constant 0 : i32
      %scan3A_118 = arith.constant 50 : i32
      %scan3A_119 = arith.addi %scan3A_117, %scan3A_118 : i32
      %scan3A_120 = arith.constant 1 : i32
      scf.for %scan3A_223 = %scan3A_117 to %scan3A_119 step %scan3A_120  : i32 {
        %mul3A_224 = arith.constant 1 : i32
        %mul3A_225 = arith.muli %scan3A_223, %mul3A_224 : i32
        %add3A_226 = arith.constant 0 : i32
        %add3A_227 = arith.addi %add3A_226, %mul3A_225 : i32
        %add3A_228 = arith.constant 100 : i32
        %add3A_229 = arith.addi %add3A_228, %add3A_227 : i32
        %get3A = arith.index_cast %add3A_229 : i32 to index
        %get3A_230 = arith.constant 0 : index
        %get3A_231 = tpu.vector_load %arg6[%get3A, %get3A_230] {strides = array<i32>} : memref<200x128xf32, #tpu.memory_space<vmem>>, vector<1x16xf32>,
        %get3A_232 = vector.shape_cast %get3A_231 : vector<1x16xf32> to vector<16xf32>
        %swap3A = arith.constant 0 : i32
        %swap3A_233 = arith.index_cast %swap3A : i32 to index
        %swap3A_234 = arith.index_cast %add3A_227 : i32 to index
        %swap3A_235 = arith.constant 0 : index
        %swap3A_236 = tpu.vector_load %arg9[%swap3A_233, %swap3A_234, %swap3A_235] {strides = array<i32>} : memref<2x50x64xf32, #tpu.memory_space<vmem>>, vector<1x1x16xf32>,
        %swap3A_237 = vector.shape_cast %swap3A_236 : vector<1x1x16xf32> to vector<16xf32>
        %swap3A_238 = vector.shape_cast %get3A_232 : vector<16xf32> to vector<1x1x16xf32>
        tpu.vector_store %arg9[%swap3A_233, %swap3A_234, %swap3A_235], %swap3A_238 {strides = array<i32>} : memref<2x50x64xf32, #tpu.memory_space<vmem>>, vector<1x1x16xf32>,
        %add3A_239 = arith.constant 100 : i32
        %add3A_240 = arith.addi %add3A_239, %add3A_227 : i32
        %get3A_241 = arith.index_cast %add3A_240 : i32 to index
        %get3A_242 = arith.constant 16 : index
        %get3A_243 = tpu.vector_load %arg6[%get3A_241, %get3A_242] {strides = array<i32>} : memref<200x128xf32, #tpu.memory_space<vmem>>, vector<1x16xf32>,
        %get3A_244 = vector.shape_cast %get3A_243 : vector<1x16xf32> to vector<16xf32>
        %swap3A_245 = arith.constant 0 : i32
        %swap3A_246 = arith.index_cast %swap3A_245 : i32 to index
        %swap3A_247 = arith.index_cast %add3A_227 : i32 to index
        %swap3A_248 = arith.constant 16 : index
        %swap3A_249 = tpu.vector_load %arg9[%swap3A_246, %swap3A_247, %swap3A_248] {strides = array<i32>} : memref<2x50x64xf32, #tpu.memory_space<vmem>>, vector<1x1x16xf32>,
        %swap3A_250 = vector.shape_cast %swap3A_249 : vector<1x1x16xf32> to vector<16xf32>
        %swap3A_251 = vector.shape_cast %get3A_244 : vector<16xf32> to vector<1x1x16xf32>
        tpu.vector_store %arg9[%swap3A_246, %swap3A_247, %swap3A_248], %swap3A_251 {strides = array<i32>} : memref<2x50x64xf32, #tpu.memory_space<vmem>>, vector<1x1x16xf32>,
        %add3A_252 = arith.constant 100 : i32
        %add3A_253 = arith.addi %add3A_252, %add3A_227 : i32
        %get3A_254 = arith.index_cast %add3A_253 : i32 to index
        %get3A_255 = arith.constant 32 : index
        %get3A_256 = tpu.vector_load %arg6[%get3A_254, %get3A_255] {strides = array<i32>} : memref<200x128xf32, #tpu.memory_space<vmem>>, vector<1x16xf32>,
        %get3A_257 = vector.shape_cast %get3A_256 : vector<1x16xf32> to vector<16xf32>
        %swap3A_258 = arith.constant 0 : i32
        %swap3A_259 = arith.index_cast %swap3A_258 : i32 to index
        %swap3A_260 = arith.index_cast %add3A_227 : i32 to index
        %swap3A_261 = arith.constant 32 : index
        %swap3A_262 = tpu.vector_load %arg9[%swap3A_259, %swap3A_260, %swap3A_261] {strides = array<i32>} : memref<2x50x64xf32, #tpu.memory_space<vmem>>, vector<1x1x16xf32>,
        %swap3A_263 = vector.shape_cast %swap3A_262 : vector<1x1x16xf32> to vector<16xf32>
        %swap3A_264 = vector.shape_cast %get3A_257 : vector<16xf32> to vector<1x1x16xf32>
        tpu.vector_store %arg9[%swap3A_259, %swap3A_260, %swap3A_261], %swap3A_264 {strides = array<i32>} : memref<2x50x64xf32, #tpu.memory_space<vmem>>, vector<1x1x16xf32>,
        %add3A_265 = arith.constant 100 : i32
        %add3A_266 = arith.addi %add3A_265, %add3A_227 : i32
        %get3A_267 = arith.index_cast %add3A_266 : i32 to index
        %get3A_268 = arith.constant 48 : index
        %get3A_269 = tpu.vector_load %arg6[%get3A_267, %get3A_268] {strides = array<i32>} : memref<200x128xf32, #tpu.memory_space<vmem>>, vector<1x16xf32>,
        %get3A_270 = vector.shape_cast %get3A_269 : vector<1x16xf32> to vector<16xf32>
        %swap3A_271 = arith.constant 0 : i32
        %swap3A_272 = arith.index_cast %swap3A_271 : i32 to index
        %swap3A_273 = arith.index_cast %add3A_227 : i32 to index
        %swap3A_274 = arith.constant 48 : index
        %swap3A_275 = tpu.vector_load %arg9[%swap3A_272, %swap3A_273, %swap3A_274] {strides = array<i32>} : memref<2x50x64xf32, #tpu.memory_space<vmem>>, vector<1x1x16xf32>,
        %swap3A_276 = vector.shape_cast %swap3A_275 : vector<1x1x16xf32> to vector<16xf32>
        %swap3A_277 = vector.shape_cast %get3A_270 : vector<16xf32> to vector<1x1x16xf32>
        tpu.vector_store %arg9[%swap3A_272, %swap3A_273, %swap3A_274], %swap3A_277 {strides = array<i32>} : memref<2x50x64xf32, #tpu.memory_space<vmem>>, vector<1x1x16xf32>,
      }
      %scan3A_121 = arith.constant 50 : i32
      %scan3A_122 = arith.constant 0 : i32
      %scan3A_123 = arith.constant 50 : i32
      %scan3A_124 = arith.addi %scan3A_122, %scan3A_123 : i32
      %scan3A_125 = arith.constant 1 : i32
      scf.for %scan3A_223 = %scan3A_122 to %scan3A_124 step %scan3A_125  : i32 {
        %mul3A_224 = arith.constant 1 : i32
        %mul3A_225 = arith.muli %scan3A_223, %mul3A_224 : i32
        %add3A_226 = arith.constant 0 : i32
        %add3A_227 = arith.addi %add3A_226, %mul3A_225 : i32
        %add3A_228 = arith.constant 150 : i32
        %add3A_229 = arith.addi %add3A_228, %add3A_227 : i32
        %get3A = arith.index_cast %add3A_229 : i32 to index
        %get3A_230 = arith.constant 0 : index
        %get3A_231 = tpu.vector_load %arg6[%get3A, %get3A_230] {strides = array<i32>} : memref<200x128xf32, #tpu.memory_space<vmem>>, vector<1x16xf32>,
        %get3A_232 = vector.shape_cast %get3A_231 : vector<1x16xf32> to vector<16xf32>
        %swap3A = arith.constant 1 : i32
        %swap3A_233 = arith.index_cast %swap3A : i32 to index
        %swap3A_234 = arith.index_cast %add3A_227 : i32 to index
        %swap3A_235 = arith.constant 0 : index
        %swap3A_236 = tpu.vector_load %arg9[%swap3A_233, %swap3A_234, %swap3A_235] {strides = array<i32>} : memref<2x50x64xf32, #tpu.memory_space<vmem>>, vector<1x1x16xf32>,
        %swap3A_237 = vector.shape_cast %swap3A_236 : vector<1x1x16xf32> to vector<16xf32>
        %swap3A_238 = vector.shape_cast %get3A_232 : vector<16xf32> to vector<1x1x16xf32>
        tpu.vector_store %arg9[%swap3A_233, %swap3A_234, %swap3A_235], %swap3A_238 {strides = array<i32>} : memref<2x50x64xf32, #tpu.memory_space<vmem>>, vector<1x1x16xf32>,
        %add3A_239 = arith.constant 150 : i32
        %add3A_240 = arith.addi %add3A_239, %add3A_227 : i32
        %get3A_241 = arith.index_cast %add3A_240 : i32 to index
        %get3A_242 = arith.constant 16 : index
        %get3A_243 = tpu.vector_load %arg6[%get3A_241, %get3A_242] {strides = array<i32>} : memref<200x128xf32, #tpu.memory_space<vmem>>, vector<1x16xf32>,
        %get3A_244 = vector.shape_cast %get3A_243 : vector<1x16xf32> to vector<16xf32>
        %swap3A_245 = arith.constant 1 : i32
        %swap3A_246 = arith.index_cast %swap3A_245 : i32 to index
        %swap3A_247 = arith.index_cast %add3A_227 : i32 to index
        %swap3A_248 = arith.constant 16 : index
        %swap3A_249 = tpu.vector_load %arg9[%swap3A_246, %swap3A_247, %swap3A_248] {strides = array<i32>} : memref<2x50x64xf32, #tpu.memory_space<vmem>>, vector<1x1x16xf32>,
        %swap3A_250 = vector.shape_cast %swap3A_249 : vector<1x1x16xf32> to vector<16xf32>
        %swap3A_251 = vector.shape_cast %get3A_244 : vector<16xf32> to vector<1x1x16xf32>
        tpu.vector_store %arg9[%swap3A_246, %swap3A_247, %swap3A_248], %swap3A_251 {strides = array<i32>} : memref<2x50x64xf32, #tpu.memory_space<vmem>>, vector<1x1x16xf32>,
        %add3A_252 = arith.constant 150 : i32
        %add3A_253 = arith.addi %add3A_252, %add3A_227 : i32
        %get3A_254 = arith.index_cast %add3A_253 : i32 to index
        %get3A_255 = arith.constant 32 : index
        %get3A_256 = tpu.vector_load %arg6[%get3A_254, %get3A_255] {strides = array<i32>} : memref<200x128xf32, #tpu.memory_space<vmem>>, vector<1x16xf32>,
        %get3A_257 = vector.shape_cast %get3A_256 : vector<1x16xf32> to vector<16xf32>
        %swap3A_258 = arith.constant 1 : i32
        %swap3A_259 = arith.index_cast %swap3A_258 : i32 to index
        %swap3A_260 = arith.index_cast %add3A_227 : i32 to index
        %swap3A_261 = arith.constant 32 : index
        %swap3A_262 = tpu.vector_load %arg9[%swap3A_259, %swap3A_260, %swap3A_261] {strides = array<i32>} : memref<2x50x64xf32, #tpu.memory_space<vmem>>, vector<1x1x16xf32>,
        %swap3A_263 = vector.shape_cast %swap3A_262 : vector<1x1x16xf32> to vector<16xf32>
        %swap3A_264 = vector.shape_cast %get3A_257 : vector<16xf32> to vector<1x1x16xf32>
        tpu.vector_store %arg9[%swap3A_259, %swap3A_260, %swap3A_261], %swap3A_264 {strides = array<i32>} : memref<2x50x64xf32, #tpu.memory_space<vmem>>, vector<1x1x16xf32>,
        %add3A_265 = arith.constant 150 : i32
        %add3A_266 = arith.addi %add3A_265, %add3A_227 : i32
        %get3A_267 = arith.index_cast %add3A_266 : i32 to index
        %get3A_268 = arith.constant 48 : index
        %get3A_269 = tpu.vector_load %arg6[%get3A_267, %get3A_268] {strides = array<i32>} : memref<200x128xf32, #tpu.memory_space<vmem>>, vector<1x16xf32>,
        %get3A_270 = vector.shape_cast %get3A_269 : vector<1x16xf32> to vector<16xf32>
        %swap3A_271 = arith.constant 1 : i32
        %swap3A_272 = arith.index_cast %swap3A_271 : i32 to index
        %swap3A_273 = arith.index_cast %add3A_227 : i32 to index
        %swap3A_274 = arith.constant 48 : index
        %swap3A_275 = tpu.vector_load %arg9[%swap3A_272, %swap3A_273, %swap3A_274] {strides = array<i32>} : memref<2x50x64xf32, #tpu.memory_space<vmem>>, vector<1x1x16xf32>,
        %swap3A_276 = vector.shape_cast %swap3A_275 : vector<1x1x16xf32> to vector<16xf32>
        %swap3A_277 = vector.shape_cast %get3A_270 : vector<16xf32> to vector<1x1x16xf32>
        tpu.vector_store %arg9[%swap3A_272, %swap3A_273, %swap3A_274], %swap3A_277 {strides = array<i32>} : memref<2x50x64xf32, #tpu.memory_space<vmem>>, vector<1x1x16xf32>,
      }
      %scan3A_126 = arith.constant 50 : i32
      %mul3A_127 = arith.constant 4 : i32
      %mul3A_128 = arith.muli %add3A_68, %mul3A_127 : i32
      %add3A_129 = arith.addi %mul3A_2, %mul3A_128 : i32
      %add3A_130 = arith.constant 2 : i32
      %add3A_131 = arith.addi %add3A_129, %add3A_130 : i32
      %dma_start3A_132 = arith.constant 0 : i32
      %dma_start3A_133 = arith.constant 0 : i32
      %dma_start3A_134 = tpu.memref_slice %arg4[%add3A_131, %dma_start3A_132, %dma_start3A_133] : memref<16384x50x64xf32, #tpu.memory_space<hbm>> -> memref<2x50x64xf32, #tpu.memory_space<hbm>>
      %dma_start3A_135 = arith.constant 0 : i32
      %dma_start3A_136 = arith.constant 0 : i32
      %dma_start3A_137 = tpu.memref_slice %arg4[%add3A_131, %dma_start3A_135, %dma_start3A_136] : memref<16384x50x64xf32, #tpu.memory_space<hbm>> -> memref<2x50x64xf32, #tpu.memory_space<hbm>>
      tpu.enqueue_dma source(%arg9 : memref<2x50x64xf32, #tpu.memory_space<vmem>>) target(%dma_start3A_137 : memref<2x50x64xf32, #tpu.memory_space<hbm>>) target_semaphore(%arg13 : memref<!tpu.dma_semaphore, #tpu.memory_space<semaphore_mem>>)
      %lt3A = arith.constant 63 : i32
      %lt3A_138 = arith.cmpi slt, %scan3A_64, %lt3A : i32
      %convert_element_type3A_139 = arith.extui %lt3A_138 : i1 to i32
      %cond3A_140 = arith.constant 0 : i32
      %cond3A_141 = arith.cmpi ne, %convert_element_type3A_139, %cond3A_140 : i32
      scf.if %cond3A_141 {
        %add3A_223 = arith.constant 2 : i32
        %add3A_224 = arith.addi %add3A_68, %add3A_223 : i32
        %mul3A_225 = arith.constant 2 : i32
        %mul3A_226 = arith.muli %add3A_224, %mul3A_225 : i32
        %add3A_227 = arith.constant 0 : i32
        %add3A_228 = arith.addi %mul3A_226, %add3A_227 : i32
        %dma_start3A_229 = arith.constant 0 : i32
        %dma_start3A_230 = arith.constant 0 : i32
        %dma_start3A_231 = tpu.memref_slice %arg6[%dma_start3A_229, %dma_start3A_230] : memref<200x128xf32, #tpu.memory_space<vmem>> -> memref<100x128xf32, #tpu.memory_space<vmem>>
        %dma_start3A_232 = arith.constant 0 : i32
        %dma_start3A_233 = tpu.memref_slice %arg5[%add3A_228, %dma_start3A_232] : memref<256x100xi32, #tpu.memory_space<vmem>> -> memref<1x100xi32, #tpu.memory_space<vmem>>
        %dma_start3A_234 = tpu.memref_squeeze %dma_start3A_233 : memref<1x100xi32, #tpu.memory_space<vmem>> -> memref<100xi32, #tpu.memory_space<vmem>>
        %dma_start3A_235 = arith.constant 0 : i32
        %dma_start3A_236 = arith.constant 0 : i32
        %dma_start3A_237 = tpu.memref_slice %arg3[%dma_start3A_235, %dma_start3A_236] : memref<1000000x128xf32, #tpu.memory_space<hbm>> -> memref<1000000x128xf32, #tpu.memory_space<hbm>>
        tpu.enqueue_indirect_dma source(%dma_start3A_237 : memref<1000000x128xf32, #tpu.memory_space<hbm>>) target(%dma_start3A_231 : memref<100x128xf32, #tpu.memory_space<vmem>>) offsets(%dma_start3A_234 : memref<100xi32, #tpu.memory_space<vmem>>) semaphore(%arg10 : memref<!tpu.dma_semaphore, #tpu.memory_space<semaphore_mem>>)
        %mul3A_238 = arith.constant 2 : i32
        %mul3A_239 = arith.muli %add3A_224, %mul3A_238 : i32
        %add3A_240 = arith.constant 1 : i32
        %add3A_241 = arith.addi %mul3A_239, %add3A_240 : i32
        %dma_start3A_242 = arith.constant 100 : i32
        %dma_start3A_243 = arith.constant 0 : i32
        %dma_start3A_244 = tpu.memref_slice %arg6[%dma_start3A_242, %dma_start3A_243] : memref<200x128xf32, #tpu.memory_space<vmem>> -> memref<100x128xf32, #tpu.memory_space<vmem>>
        %dma_start3A_245 = arith.constant 0 : i32
        %dma_start3A_246 = tpu.memref_slice %arg5[%add3A_241, %dma_start3A_245] : memref<256x100xi32, #tpu.memory_space<vmem>> -> memref<1x100xi32, #tpu.memory_space<vmem>>
        %dma_start3A_247 = tpu.memref_squeeze %dma_start3A_246 : memref<1x100xi32, #tpu.memory_space<vmem>> -> memref<100xi32, #tpu.memory_space<vmem>>
        %dma_start3A_248 = arith.constant 0 : i32
        %dma_start3A_249 = arith.constant 0 : i32
        %dma_start3A_250 = tpu.memref_slice %arg3[%dma_start3A_248, %dma_start3A_249] : memref<1000000x128xf32, #tpu.memory_space<hbm>> -> memref<1000000x128xf32, #tpu.memory_space<hbm>>
        tpu.enqueue_indirect_dma source(%dma_start3A_250 : memref<1000000x128xf32, #tpu.memory_space<hbm>>) target(%dma_start3A_244 : memref<100x128xf32, #tpu.memory_space<vmem>>) offsets(%dma_start3A_247 : memref<100xi32, #tpu.memory_space<vmem>>) semaphore(%arg10 : memref<!tpu.dma_semaphore, #tpu.memory_space<semaphore_mem>>)
      } else {
      }
      %mul3A_142 = arith.constant 2 : i32
      %mul3A_143 = arith.muli %mul3A_142, %scan3A_64 : i32
      %add3A_144 = arith.constant 1 : i32
      %add3A_145 = arith.addi %mul3A_143, %add3A_144 : i32
      %dma_wait3A_146 = arith.constant 0 : i32
      %dma_wait3A_147 = arith.constant 0 : i32
      %dma_wait3A_148 = arith.constant 0 : i32
      %dma_wait3A_149 = tpu.memref_slice %arg7[%dma_wait3A_147, %dma_wait3A_148] : memref<200x128xf32, #tpu.memory_space<vmem>> -> memref<100x128xf32, #tpu.memory_space<vmem>>
      %dma_wait3A_150 = arith.constant 0 : i32
      %dma_wait3A_151 = tpu.memref_slice %arg5[%dma_wait3A_146, %dma_wait3A_150] : memref<256x100xi32, #tpu.memory_space<vmem>> -> memref<1x100xi32, #tpu.memory_space<vmem>>
      %dma_wait3A_152 = tpu.memref_squeeze %dma_wait3A_151 : memref<1x100xi32, #tpu.memory_space<vmem>> -> memref<100xi32, #tpu.memory_space<vmem>>
      %dma_wait3A_153 = arith.constant 0 : i32
      %dma_wait3A_154 = arith.constant 0 : i32
      %dma_wait3A_155 = tpu.memref_slice %arg3[%dma_wait3A_153, %dma_wait3A_154] : memref<1000000x128xf32, #tpu.memory_space<hbm>> -> memref<1000000x128xf32, #tpu.memory_space<hbm>>
      tpu.wait_indirect_dma semaphore(%arg11 : memref<!tpu.dma_semaphore, #tpu.memory_space<semaphore_mem>>) src(%dma_wait3A_155 : memref<1000000x128xf32, #tpu.memory_space<hbm>>) dst(%dma_wait3A_149 : memref<100x128xf32, #tpu.memory_space<vmem>>)
      %dma_wait3A_156 = arith.constant 0 : i32
      %dma_wait3A_157 = arith.constant 0 : i32
      %dma_wait3A_158 = arith.constant 0 : i32
      %dma_wait3A_159 = tpu.memref_slice %arg7[%dma_wait3A_157, %dma_wait3A_158] : memref<200x128xf32, #tpu.memory_space<vmem>> -> memref<100x128xf32, #tpu.memory_space<vmem>>
      %dma_wait3A_160 = arith.constant 0 : i32
      %dma_wait3A_161 = tpu.memref_slice %arg5[%dma_wait3A_156, %dma_wait3A_160] : memref<256x100xi32, #tpu.memory_space<vmem>> -> memref<1x100xi32, #tpu.memory_space<vmem>>
      %dma_wait3A_162 = tpu.memref_squeeze %dma_wait3A_161 : memref<1x100xi32, #tpu.memory_space<vmem>> -> memref<100xi32, #tpu.memory_space<vmem>>
      %dma_wait3A_163 = arith.constant 0 : i32
      %dma_wait3A_164 = arith.constant 0 : i32
      %dma_wait3A_165 = tpu.memref_slice %arg3[%dma_wait3A_163, %dma_wait3A_164] : memref<1000000x128xf32, #tpu.memory_space<hbm>> -> memref<1000000x128xf32, #tpu.memory_space<hbm>>
      tpu.wait_indirect_dma semaphore(%arg11 : memref<!tpu.dma_semaphore, #tpu.memory_space<semaphore_mem>>) src(%dma_wait3A_165 : memref<1000000x128xf32, #tpu.memory_space<hbm>>) dst(%dma_wait3A_159 : memref<100x128xf32, #tpu.memory_space<vmem>>)
      %gt3A_166 = arith.constant 0 : i32
      %gt3A_167 = arith.cmpi sgt, %add3A_145, %gt3A_166 : i32
      %convert_element_type3A_168 = arith.extui %gt3A_167 : i1 to i32
      %cond3A_169 = arith.constant 0 : i32
      %cond3A_170 = arith.cmpi ne, %convert_element_type3A_168, %cond3A_169 : i32
      scf.if %cond3A_170 {
        %dma_wait3A_223 = arith.constant 0 : i32
        %dma_wait3A_224 = arith.constant 0 : i32
        %dma_wait3A_225 = arith.constant 0 : i32
        %dma_wait3A_226 = tpu.memref_slice %arg4[%dma_wait3A_223, %dma_wait3A_224, %dma_wait3A_225] : memref<16384x50x64xf32, #tpu.memory_space<hbm>> -> memref<2x50x64xf32, #tpu.memory_space<hbm>>
        %dma_wait3A_227 = arith.constant 0 : i32
        %dma_wait3A_228 = arith.constant 0 : i32
        %dma_wait3A_229 = arith.constant 0 : i32
        %dma_wait3A_230 = tpu.memref_slice %arg4[%dma_wait3A_227, %dma_wait3A_228, %dma_wait3A_229] : memref<16384x50x64xf32, #tpu.memory_space<hbm>> -> memref<2x50x64xf32, #tpu.memory_space<hbm>>
        tpu.wait_dma2 semaphore(%arg12 : memref<!tpu.dma_semaphore, #tpu.memory_space<semaphore_mem>>) src(%arg8 : memref<2x50x64xf32, #tpu.memory_space<vmem>>) dst(%dma_wait3A_230 : memref<2x50x64xf32, #tpu.memory_space<hbm>>)
      } else {
      }
      %scan3A_171 = arith.constant 0 : i32
      %scan3A_172 = arith.constant 50 : i32
      %scan3A_173 = arith.addi %scan3A_171, %scan3A_172 : i32
      %scan3A_174 = arith.constant 1 : i32
      scf.for %scan3A_223 = %scan3A_171 to %scan3A_173 step %scan3A_174  : i32 {
        %mul3A_224 = arith.constant 1 : i32
        %mul3A_225 = arith.muli %scan3A_223, %mul3A_224 : i32
        %add3A_226 = arith.constant 0 : i32
        %add3A_227 = arith.addi %add3A_226, %mul3A_225 : i32
        %add3A_228 = arith.constant 0 : i32
        %add3A_229 = arith.addi %add3A_228, %add3A_227 : i32
        %get3A = arith.index_cast %add3A_229 : i32 to index
        %get3A_230 = arith.constant 0 : index
        %get3A_231 = tpu.vector_load %arg7[%get3A, %get3A_230] {strides = array<i32>} : memref<200x128xf32, #tpu.memory_space<vmem>>, vector<1x16xf32>,
        %get3A_232 = vector.shape_cast %get3A_231 : vector<1x16xf32> to vector<16xf32>
        %swap3A = arith.constant 0 : i32
        %swap3A_233 = arith.index_cast %swap3A : i32 to index
        %swap3A_234 = arith.index_cast %add3A_227 : i32 to index
        %swap3A_235 = arith.constant 0 : index
        %swap3A_236 = tpu.vector_load %arg8[%swap3A_233, %swap3A_234, %swap3A_235] {strides = array<i32>} : memref<2x50x64xf32, #tpu.memory_space<vmem>>, vector<1x1x16xf32>,
        %swap3A_237 = vector.shape_cast %swap3A_236 : vector<1x1x16xf32> to vector<16xf32>
        %swap3A_238 = vector.shape_cast %get3A_232 : vector<16xf32> to vector<1x1x16xf32>
        tpu.vector_store %arg8[%swap3A_233, %swap3A_234, %swap3A_235], %swap3A_238 {strides = array<i32>} : memref<2x50x64xf32, #tpu.memory_space<vmem>>, vector<1x1x16xf32>,
        %add3A_239 = arith.constant 0 : i32
        %add3A_240 = arith.addi %add3A_239, %add3A_227 : i32
        %get3A_241 = arith.index_cast %add3A_240 : i32 to index
        %get3A_242 = arith.constant 16 : index
        %get3A_243 = tpu.vector_load %arg7[%get3A_241, %get3A_242] {strides = array<i32>} : memref<200x128xf32, #tpu.memory_space<vmem>>, vector<1x16xf32>,
        %get3A_244 = vector.shape_cast %get3A_243 : vector<1x16xf32> to vector<16xf32>
        %swap3A_245 = arith.constant 0 : i32
        %swap3A_246 = arith.index_cast %swap3A_245 : i32 to index
        %swap3A_247 = arith.index_cast %add3A_227 : i32 to index
        %swap3A_248 = arith.constant 16 : index
        %swap3A_249 = tpu.vector_load %arg8[%swap3A_246, %swap3A_247, %swap3A_248] {strides = array<i32>} : memref<2x50x64xf32, #tpu.memory_space<vmem>>, vector<1x1x16xf32>,
        %swap3A_250 = vector.shape_cast %swap3A_249 : vector<1x1x16xf32> to vector<16xf32>
        %swap3A_251 = vector.shape_cast %get3A_244 : vector<16xf32> to vector<1x1x16xf32>
        tpu.vector_store %arg8[%swap3A_246, %swap3A_247, %swap3A_248], %swap3A_251 {strides = array<i32>} : memref<2x50x64xf32, #tpu.memory_space<vmem>>, vector<1x1x16xf32>,
        %add3A_252 = arith.constant 0 : i32
        %add3A_253 = arith.addi %add3A_252, %add3A_227 : i32
        %get3A_254 = arith.index_cast %add3A_253 : i32 to index
        %get3A_255 = arith.constant 32 : index
        %get3A_256 = tpu.vector_load %arg7[%get3A_254, %get3A_255] {strides = array<i32>} : memref<200x128xf32, #tpu.memory_space<vmem>>, vector<1x16xf32>,
        %get3A_257 = vector.shape_cast %get3A_256 : vector<1x16xf32> to vector<16xf32>
        %swap3A_258 = arith.constant 0 : i32
        %swap3A_259 = arith.index_cast %swap3A_258 : i32 to index
        %swap3A_260 = arith.index_cast %add3A_227 : i32 to index
        %swap3A_261 = arith.constant 32 : index
        %swap3A_262 = tpu.vector_load %arg8[%swap3A_259, %swap3A_260, %swap3A_261] {strides = array<i32>} : memref<2x50x64xf32, #tpu.memory_space<vmem>>, vector<1x1x16xf32>,
        %swap3A_263 = vector.shape_cast %swap3A_262 : vector<1x1x16xf32> to vector<16xf32>
        %swap3A_264 = vector.shape_cast %get3A_257 : vector<16xf32> to vector<1x1x16xf32>
        tpu.vector_store %arg8[%swap3A_259, %swap3A_260, %swap3A_261], %swap3A_264 {strides = array<i32>} : memref<2x50x64xf32, #tpu.memory_space<vmem>>, vector<1x1x16xf32>,
        %add3A_265 = arith.constant 0 : i32
        %add3A_266 = arith.addi %add3A_265, %add3A_227 : i32
        %get3A_267 = arith.index_cast %add3A_266 : i32 to index
        %get3A_268 = arith.constant 48 : index
        %get3A_269 = tpu.vector_load %arg7[%get3A_267, %get3A_268] {strides = array<i32>} : memref<200x128xf32, #tpu.memory_space<vmem>>, vector<1x16xf32>,
        %get3A_270 = vector.shape_cast %get3A_269 : vector<1x16xf32> to vector<16xf32>
        %swap3A_271 = arith.constant 0 : i32
        %swap3A_272 = arith.index_cast %swap3A_271 : i32 to index
        %swap3A_273 = arith.index_cast %add3A_227 : i32 to index
        %swap3A_274 = arith.constant 48 : index
        %swap3A_275 = tpu.vector_load %arg8[%swap3A_272, %swap3A_273, %swap3A_274] {strides = array<i32>} : memref<2x50x64xf32, #tpu.memory_space<vmem>>, vector<1x1x16xf32>,
        %swap3A_276 = vector.shape_cast %swap3A_275 : vector<1x1x16xf32> to vector<16xf32>
        %swap3A_277 = vector.shape_cast %get3A_270 : vector<16xf32> to vector<1x1x16xf32>
        tpu.vector_store %arg8[%swap3A_272, %swap3A_273, %swap3A_274], %swap3A_277 {strides = array<i32>} : memref<2x50x64xf32, #tpu.memory_space<vmem>>, vector<1x1x16xf32>,
      }
      %scan3A_175 = arith.constant 50 : i32
      %scan3A_176 = arith.constant 0 : i32
      %scan3A_177 = arith.constant 50 : i32
      %scan3A_178 = arith.addi %scan3A_176, %scan3A_177 : i32
      %scan3A_179 = arith.constant 1 : i32
      scf.for %scan3A_223 = %scan3A_176 to %scan3A_178 step %scan3A_179  : i32 {
        %mul3A_224 = arith.constant 1 : i32
        %mul3A_225 = arith.muli %scan3A_223, %mul3A_224 : i32
        %add3A_226 = arith.constant 0 : i32
        %add3A_227 = arith.addi %add3A_226, %mul3A_225 : i32
        %add3A_228 = arith.constant 50 : i32
        %add3A_229 = arith.addi %add3A_228, %add3A_227 : i32
        %get3A = arith.index_cast %add3A_229 : i32 to index
        %get3A_230 = arith.constant 0 : index
        %get3A_231 = tpu.vector_load %arg7[%get3A, %get3A_230] {strides = array<i32>} : memref<200x128xf32, #tpu.memory_space<vmem>>, vector<1x16xf32>,
        %get3A_232 = vector.shape_cast %get3A_231 : vector<1x16xf32> to vector<16xf32>
        %swap3A = arith.constant 1 : i32
        %swap3A_233 = arith.index_cast %swap3A : i32 to index
        %swap3A_234 = arith.index_cast %add3A_227 : i32 to index
        %swap3A_235 = arith.constant 0 : index
        %swap3A_236 = tpu.vector_load %arg8[%swap3A_233, %swap3A_234, %swap3A_235] {strides = array<i32>} : memref<2x50x64xf32, #tpu.memory_space<vmem>>, vector<1x1x16xf32>,
        %swap3A_237 = vector.shape_cast %swap3A_236 : vector<1x1x16xf32> to vector<16xf32>
        %swap3A_238 = vector.shape_cast %get3A_232 : vector<16xf32> to vector<1x1x16xf32>
        tpu.vector_store %arg8[%swap3A_233, %swap3A_234, %swap3A_235], %swap3A_238 {strides = array<i32>} : memref<2x50x64xf32, #tpu.memory_space<vmem>>, vector<1x1x16xf32>,
        %add3A_239 = arith.constant 50 : i32
        %add3A_240 = arith.addi %add3A_239, %add3A_227 : i32
        %get3A_241 = arith.index_cast %add3A_240 : i32 to index
        %get3A_242 = arith.constant 16 : index
        %get3A_243 = tpu.vector_load %arg7[%get3A_241, %get3A_242] {strides = array<i32>} : memref<200x128xf32, #tpu.memory_space<vmem>>, vector<1x16xf32>,
        %get3A_244 = vector.shape_cast %get3A_243 : vector<1x16xf32> to vector<16xf32>
        %swap3A_245 = arith.constant 1 : i32
        %swap3A_246 = arith.index_cast %swap3A_245 : i32 to index
        %swap3A_247 = arith.index_cast %add3A_227 : i32 to index
        %swap3A_248 = arith.constant 16 : index
        %swap3A_249 = tpu.vector_load %arg8[%swap3A_246, %swap3A_247, %swap3A_248] {strides = array<i32>} : memref<2x50x64xf32, #tpu.memory_space<vmem>>, vector<1x1x16xf32>,
        %swap3A_250 = vector.shape_cast %swap3A_249 : vector<1x1x16xf32> to vector<16xf32>
        %swap3A_251 = vector.shape_cast %get3A_244 : vector<16xf32> to vector<1x1x16xf32>
        tpu.vector_store %arg8[%swap3A_246, %swap3A_247, %swap3A_248], %swap3A_251 {strides = array<i32>} : memref<2x50x64xf32, #tpu.memory_space<vmem>>, vector<1x1x16xf32>,
        %add3A_252 = arith.constant 50 : i32
        %add3A_253 = arith.addi %add3A_252, %add3A_227 : i32
        %get3A_254 = arith.index_cast %add3A_253 : i32 to index
        %get3A_255 = arith.constant 32 : index
        %get3A_256 = tpu.vector_load %arg7[%get3A_254, %get3A_255] {strides = array<i32>} : memref<200x128xf32, #tpu.memory_space<vmem>>, vector<1x16xf32>,
        %get3A_257 = vector.shape_cast %get3A_256 : vector<1x16xf32> to vector<16xf32>
        %swap3A_258 = arith.constant 1 : i32
        %swap3A_259 = arith.index_cast %swap3A_258 : i32 to index
        %swap3A_260 = arith.index_cast %add3A_227 : i32 to index
        %swap3A_261 = arith.constant 32 : index
        %swap3A_262 = tpu.vector_load %arg8[%swap3A_259, %swap3A_260, %swap3A_261] {strides = array<i32>} : memref<2x50x64xf32, #tpu.memory_space<vmem>>, vector<1x1x16xf32>,
        %swap3A_263 = vector.shape_cast %swap3A_262 : vector<1x1x16xf32> to vector<16xf32>
        %swap3A_264 = vector.shape_cast %get3A_257 : vector<16xf32> to vector<1x1x16xf32>
        tpu.vector_store %arg8[%swap3A_259, %swap3A_260, %swap3A_261], %swap3A_264 {strides = array<i32>} : memref<2x50x64xf32, #tpu.memory_space<vmem>>, vector<1x1x16xf32>,
        %add3A_265 = arith.constant 50 : i32
        %add3A_266 = arith.addi %add3A_265, %add3A_227 : i32
        %get3A_267 = arith.index_cast %add3A_266 : i32 to index
        %get3A_268 = arith.constant 48 : index
        %get3A_269 = tpu.vector_load %arg7[%get3A_267, %get3A_268] {strides = array<i32>} : memref<200x128xf32, #tpu.memory_space<vmem>>, vector<1x16xf32>,
        %get3A_270 = vector.shape_cast %get3A_269 : vector<1x16xf32> to vector<16xf32>
        %swap3A_271 = arith.constant 1 : i32
        %swap3A_272 = arith.index_cast %swap3A_271 : i32 to index
        %swap3A_273 = arith.index_cast %add3A_227 : i32 to index
        %swap3A_274 = arith.constant 48 : index
        %swap3A_275 = tpu.vector_load %arg8[%swap3A_272, %swap3A_273, %swap3A_274] {strides = array<i32>} : memref<2x50x64xf32, #tpu.memory_space<vmem>>, vector<1x1x16xf32>,
        %swap3A_276 = vector.shape_cast %swap3A_275 : vector<1x1x16xf32> to vector<16xf32>
        %swap3A_277 = vector.shape_cast %get3A_270 : vector<16xf32> to vector<1x1x16xf32>
        tpu.vector_store %arg8[%swap3A_272, %swap3A_273, %swap3A_274], %swap3A_277 {strides = array<i32>} : memref<2x50x64xf32, #tpu.memory_space<vmem>>, vector<1x1x16xf32>,
      }
      %scan3A_180 = arith.constant 50 : i32
      %mul3A_181 = arith.constant 4 : i32
      %mul3A_182 = arith.muli %add3A_145, %mul3A_181 : i32
      %add3A_183 = arith.addi %mul3A_2, %mul3A_182 : i32
      %add3A_184 = arith.constant 0 : i32
      %add3A_185 = arith.addi %add3A_183, %add3A_184 : i32
      %dma_start3A_186 = arith.constant 0 : i32
      %dma_start3A_187 = arith.constant 0 : i32
      %dma_start3A_188 = tpu.memref_slice %arg4[%add3A_185, %dma_start3A_186, %dma_start3A_187] : memref<16384x50x64xf32, #tpu.memory_space<hbm>> -> memref<2x50x64xf32, #tpu.memory_space<hbm>>
      %dma_start3A_189 = arith.constant 0 : i32
      %dma_start3A_190 = arith.constant 0 : i32
      %dma_start3A_191 = tpu.memref_slice %arg4[%add3A_185, %dma_start3A_189, %dma_start3A_190] : memref<16384x50x64xf32, #tpu.memory_space<hbm>> -> memref<2x50x64xf32, #tpu.memory_space<hbm>>
      tpu.enqueue_dma source(%arg8 : memref<2x50x64xf32, #tpu.memory_space<vmem>>) target(%dma_start3A_191 : memref<2x50x64xf32, #tpu.memory_space<hbm>>) target_semaphore(%arg12 : memref<!tpu.dma_semaphore, #tpu.memory_space<semaphore_mem>>)
      %gt3A_192 = arith.constant 0 : i32
      %gt3A_193 = arith.cmpi sgt, %add3A_145, %gt3A_192 : i32
      %convert_element_type3A_194 = arith.extui %gt3A_193 : i1 to i32
      %cond3A_195 = arith.constant 0 : i32
      %cond3A_196 = arith.cmpi ne, %convert_element_type3A_194, %cond3A_195 : i32
      scf.if %cond3A_196 {
        %dma_wait3A_223 = arith.constant 0 : i32
        %dma_wait3A_224 = arith.constant 0 : i32
        %dma_wait3A_225 = arith.constant 0 : i32
        %dma_wait3A_226 = tpu.memref_slice %arg4[%dma_wait3A_223, %dma_wait3A_224, %dma_wait3A_225] : memref<16384x50x64xf32, #tpu.memory_space<hbm>> -> memref<2x50x64xf32, #tpu.memory_space<hbm>>
        %dma_wait3A_227 = arith.constant 0 : i32
        %dma_wait3A_228 = arith.constant 0 : i32
        %dma_wait3A_229 = arith.constant 0 : i32
        %dma_wait3A_230 = tpu.memref_slice %arg4[%dma_wait3A_227, %dma_wait3A_228, %dma_wait3A_229] : memref<16384x50x64xf32, #tpu.memory_space<hbm>> -> memref<2x50x64xf32, #tpu.memory_space<hbm>>
        tpu.wait_dma2 semaphore(%arg13 : memref<!tpu.dma_semaphore, #tpu.memory_space<semaphore_mem>>) src(%arg9 : memref<2x50x64xf32, #tpu.memory_space<vmem>>) dst(%dma_wait3A_230 : memref<2x50x64xf32, #tpu.memory_space<hbm>>)
      } else {
      }
      %scan3A_197 = arith.constant 0 : i32
      %scan3A_198 = arith.constant 50 : i32
      %scan3A_199 = arith.addi %scan3A_197, %scan3A_198 : i32
      %scan3A_200 = arith.constant 1 : i32
      scf.for %scan3A_223 = %scan3A_197 to %scan3A_199 step %scan3A_200  : i32 {
        %mul3A_224 = arith.constant 1 : i32
        %mul3A_225 = arith.muli %scan3A_223, %mul3A_224 : i32
        %add3A_226 = arith.constant 0 : i32
        %add3A_227 = arith.addi %add3A_226, %mul3A_225 : i32
        %add3A_228 = arith.constant 100 : i32
        %add3A_229 = arith.addi %add3A_228, %add3A_227 : i32
        %get3A = arith.index_cast %add3A_229 : i32 to index
        %get3A_230 = arith.constant 0 : index
        %get3A_231 = tpu.vector_load %arg7[%get3A, %get3A_230] {strides = array<i32>} : memref<200x128xf32, #tpu.memory_space<vmem>>, vector<1x16xf32>,
        %get3A_232 = vector.shape_cast %get3A_231 : vector<1x16xf32> to vector<16xf32>
        %swap3A = arith.constant 0 : i32
        %swap3A_233 = arith.index_cast %swap3A : i32 to index
        %swap3A_234 = arith.index_cast %add3A_227 : i32 to index
        %swap3A_235 = arith.constant 0 : index
        %swap3A_236 = tpu.vector_load %arg9[%swap3A_233, %swap3A_234, %swap3A_235] {strides = array<i32>} : memref<2x50x64xf32, #tpu.memory_space<vmem>>, vector<1x1x16xf32>,
        %swap3A_237 = vector.shape_cast %swap3A_236 : vector<1x1x16xf32> to vector<16xf32>
        %swap3A_238 = vector.shape_cast %get3A_232 : vector<16xf32> to vector<1x1x16xf32>
        tpu.vector_store %arg9[%swap3A_233, %swap3A_234, %swap3A_235], %swap3A_238 {strides = array<i32>} : memref<2x50x64xf32, #tpu.memory_space<vmem>>, vector<1x1x16xf32>,
        %add3A_239 = arith.constant 100 : i32
        %add3A_240 = arith.addi %add3A_239, %add3A_227 : i32
        %get3A_241 = arith.index_cast %add3A_240 : i32 to index
        %get3A_242 = arith.constant 16 : index
        %get3A_243 = tpu.vector_load %arg7[%get3A_241, %get3A_242] {strides = array<i32>} : memref<200x128xf32, #tpu.memory_space<vmem>>, vector<1x16xf32>,
        %get3A_244 = vector.shape_cast %get3A_243 : vector<1x16xf32> to vector<16xf32>
        %swap3A_245 = arith.constant 0 : i32
        %swap3A_246 = arith.index_cast %swap3A_245 : i32 to index
        %swap3A_247 = arith.index_cast %add3A_227 : i32 to index
        %swap3A_248 = arith.constant 16 : index
        %swap3A_249 = tpu.vector_load %arg9[%swap3A_246, %swap3A_247, %swap3A_248] {strides = array<i32>} : memref<2x50x64xf32, #tpu.memory_space<vmem>>, vector<1x1x16xf32>,
        %swap3A_250 = vector.shape_cast %swap3A_249 : vector<1x1x16xf32> to vector<16xf32>
        %swap3A_251 = vector.shape_cast %get3A_244 : vector<16xf32> to vector<1x1x16xf32>
        tpu.vector_store %arg9[%swap3A_246, %swap3A_247, %swap3A_248], %swap3A_251 {strides = array<i32>} : memref<2x50x64xf32, #tpu.memory_space<vmem>>, vector<1x1x16xf32>,
        %add3A_252 = arith.constant 100 : i32
        %add3A_253 = arith.addi %add3A_252, %add3A_227 : i32
        %get3A_254 = arith.index_cast %add3A_253 : i32 to index
        %get3A_255 = arith.constant 32 : index
        %get3A_256 = tpu.vector_load %arg7[%get3A_254, %get3A_255] {strides = array<i32>} : memref<200x128xf32, #tpu.memory_space<vmem>>, vector<1x16xf32>,
        %get3A_257 = vector.shape_cast %get3A_256 : vector<1x16xf32> to vector<16xf32>
        %swap3A_258 = arith.constant 0 : i32
        %swap3A_259 = arith.index_cast %swap3A_258 : i32 to index
        %swap3A_260 = arith.index_cast %add3A_227 : i32 to index
        %swap3A_261 = arith.constant 32 : index
        %swap3A_262 = tpu.vector_load %arg9[%swap3A_259, %swap3A_260, %swap3A_261] {strides = array<i32>} : memref<2x50x64xf32, #tpu.memory_space<vmem>>, vector<1x1x16xf32>,
        %swap3A_263 = vector.shape_cast %swap3A_262 : vector<1x1x16xf32> to vector<16xf32>
        %swap3A_264 = vector.shape_cast %get3A_257 : vector<16xf32> to vector<1x1x16xf32>
        tpu.vector_store %arg9[%swap3A_259, %swap3A_260, %swap3A_261], %swap3A_264 {strides = array<i32>} : memref<2x50x64xf32, #tpu.memory_space<vmem>>, vector<1x1x16xf32>,
        %add3A_265 = arith.constant 100 : i32
        %add3A_266 = arith.addi %add3A_265, %add3A_227 : i32
        %get3A_267 = arith.index_cast %add3A_266 : i32 to index
        %get3A_268 = arith.constant 48 : index
        %get3A_269 = tpu.vector_load %arg7[%get3A_267, %get3A_268] {strides = array<i32>} : memref<200x128xf32, #tpu.memory_space<vmem>>, vector<1x16xf32>,
        %get3A_270 = vector.shape_cast %get3A_269 : vector<1x16xf32> to vector<16xf32>
        %swap3A_271 = arith.constant 0 : i32
        %swap3A_272 = arith.index_cast %swap3A_271 : i32 to index
        %swap3A_273 = arith.index_cast %add3A_227 : i32 to index
        %swap3A_274 = arith.constant 48 : index
        %swap3A_275 = tpu.vector_load %arg9[%swap3A_272, %swap3A_273, %swap3A_274] {strides = array<i32>} : memref<2x50x64xf32, #tpu.memory_space<vmem>>, vector<1x1x16xf32>,
        %swap3A_276 = vector.shape_cast %swap3A_275 : vector<1x1x16xf32> to vector<16xf32>
        %swap3A_277 = vector.shape_cast %get3A_270 : vector<16xf32> to vector<1x1x16xf32>
        tpu.vector_store %arg9[%swap3A_272, %swap3A_273, %swap3A_274], %swap3A_277 {strides = array<i32>} : memref<2x50x64xf32, #tpu.memory_space<vmem>>, vector<1x1x16xf32>,
      }
      %scan3A_201 = arith.constant 50 : i32
      %scan3A_202 = arith.constant 0 : i32
      %scan3A_203 = arith.constant 50 : i32
      %scan3A_204 = arith.addi %scan3A_202, %scan3A_203 : i32
      %scan3A_205 = arith.constant 1 : i32
      scf.for %scan3A_223 = %scan3A_202 to %scan3A_204 step %scan3A_205  : i32 {
        %mul3A_224 = arith.constant 1 : i32
        %mul3A_225 = arith.muli %scan3A_223, %mul3A_224 : i32
        %add3A_226 = arith.constant 0 : i32
        %add3A_227 = arith.addi %add3A_226, %mul3A_225 : i32
        %add3A_228 = arith.constant 150 : i32
        %add3A_229 = arith.addi %add3A_228, %add3A_227 : i32
        %get3A = arith.index_cast %add3A_229 : i32 to index
        %get3A_230 = arith.constant 0 : index
        %get3A_231 = tpu.vector_load %arg7[%get3A, %get3A_230] {strides = array<i32>} : memref<200x128xf32, #tpu.memory_space<vmem>>, vector<1x16xf32>,
        %get3A_232 = vector.shape_cast %get3A_231 : vector<1x16xf32> to vector<16xf32>
        %swap3A = arith.constant 1 : i32
        %swap3A_233 = arith.index_cast %swap3A : i32 to index
        %swap3A_234 = arith.index_cast %add3A_227 : i32 to index
        %swap3A_235 = arith.constant 0 : index
        %swap3A_236 = tpu.vector_load %arg9[%swap3A_233, %swap3A_234, %swap3A_235] {strides = array<i32>} : memref<2x50x64xf32, #tpu.memory_space<vmem>>, vector<1x1x16xf32>,
        %swap3A_237 = vector.shape_cast %swap3A_236 : vector<1x1x16xf32> to vector<16xf32>
        %swap3A_238 = vector.shape_cast %get3A_232 : vector<16xf32> to vector<1x1x16xf32>
        tpu.vector_store %arg9[%swap3A_233, %swap3A_234, %swap3A_235], %swap3A_238 {strides = array<i32>} : memref<2x50x64xf32, #tpu.memory_space<vmem>>, vector<1x1x16xf32>,
        %add3A_239 = arith.constant 150 : i32
        %add3A_240 = arith.addi %add3A_239, %add3A_227 : i32
        %get3A_241 = arith.index_cast %add3A_240 : i32 to index
        %get3A_242 = arith.constant 16 : index
        %get3A_243 = tpu.vector_load %arg7[%get3A_241, %get3A_242] {strides = array<i32>} : memref<200x128xf32, #tpu.memory_space<vmem>>, vector<1x16xf32>,
        %get3A_244 = vector.shape_cast %get3A_243 : vector<1x16xf32> to vector<16xf32>
        %swap3A_245 = arith.constant 1 : i32
        %swap3A_246 = arith.index_cast %swap3A_245 : i32 to index
        %swap3A_247 = arith.index_cast %add3A_227 : i32 to index
        %swap3A_248 = arith.constant 16 : index
        %swap3A_249 = tpu.vector_load %arg9[%swap3A_246, %swap3A_247, %swap3A_248] {strides = array<i32>} : memref<2x50x64xf32, #tpu.memory_space<vmem>>, vector<1x1x16xf32>,
        %swap3A_250 = vector.shape_cast %swap3A_249 : vector<1x1x16xf32> to vector<16xf32>
        %swap3A_251 = vector.shape_cast %get3A_244 : vector<16xf32> to vector<1x1x16xf32>
        tpu.vector_store %arg9[%swap3A_246, %swap3A_247, %swap3A_248], %swap3A_251 {strides = array<i32>} : memref<2x50x64xf32, #tpu.memory_space<vmem>>, vector<1x1x16xf32>,
        %add3A_252 = arith.constant 150 : i32
        %add3A_253 = arith.addi %add3A_252, %add3A_227 : i32
        %get3A_254 = arith.index_cast %add3A_253 : i32 to index
        %get3A_255 = arith.constant 32 : index
        %get3A_256 = tpu.vector_load %arg7[%get3A_254, %get3A_255] {strides = array<i32>} : memref<200x128xf32, #tpu.memory_space<vmem>>, vector<1x16xf32>,
        %get3A_257 = vector.shape_cast %get3A_256 : vector<1x16xf32> to vector<16xf32>
        %swap3A_258 = arith.constant 1 : i32
        %swap3A_259 = arith.index_cast %swap3A_258 : i32 to index
        %swap3A_260 = arith.index_cast %add3A_227 : i32 to index
        %swap3A_261 = arith.constant 32 : index
        %swap3A_262 = tpu.vector_load %arg9[%swap3A_259, %swap3A_260, %swap3A_261] {strides = array<i32>} : memref<2x50x64xf32, #tpu.memory_space<vmem>>, vector<1x1x16xf32>,
        %swap3A_263 = vector.shape_cast %swap3A_262 : vector<1x1x16xf32> to vector<16xf32>
        %swap3A_264 = vector.shape_cast %get3A_257 : vector<16xf32> to vector<1x1x16xf32>
        tpu.vector_store %arg9[%swap3A_259, %swap3A_260, %swap3A_261], %swap3A_264 {strides = array<i32>} : memref<2x50x64xf32, #tpu.memory_space<vmem>>, vector<1x1x16xf32>,
        %add3A_265 = arith.constant 150 : i32
        %add3A_266 = arith.addi %add3A_265, %add3A_227 : i32
        %get3A_267 = arith.index_cast %add3A_266 : i32 to index
        %get3A_268 = arith.constant 48 : index
        %get3A_269 = tpu.vector_load %arg7[%get3A_267, %get3A_268] {strides = array<i32>} : memref<200x128xf32, #tpu.memory_space<vmem>>, vector<1x16xf32>,
        %get3A_270 = vector.shape_cast %get3A_269 : vector<1x16xf32> to vector<16xf32>
        %swap3A_271 = arith.constant 1 : i32
        %swap3A_272 = arith.index_cast %swap3A_271 : i32 to index
        %swap3A_273 = arith.index_cast %add3A_227 : i32 to index
        %swap3A_274 = arith.constant 48 : index
        %swap3A_275 = tpu.vector_load %arg9[%swap3A_272, %swap3A_273, %swap3A_274] {strides = array<i32>} : memref<2x50x64xf32, #tpu.memory_space<vmem>>, vector<1x1x16xf32>,
        %swap3A_276 = vector.shape_cast %swap3A_275 : vector<1x1x16xf32> to vector<16xf32>
        %swap3A_277 = vector.shape_cast %get3A_270 : vector<16xf32> to vector<1x1x16xf32>
        tpu.vector_store %arg9[%swap3A_272, %swap3A_273, %swap3A_274], %swap3A_277 {strides = array<i32>} : memref<2x50x64xf32, #tpu.memory_space<vmem>>, vector<1x1x16xf32>,
      }
      %scan3A_206 = arith.constant 50 : i32
      %mul3A_207 = arith.constant 4 : i32
      %mul3A_208 = arith.muli %add3A_145, %mul3A_207 : i32
      %add3A_209 = arith.addi %mul3A_2, %mul3A_208 : i32
      %add3A_210 = arith.constant 2 : i32
      %add3A_211 = arith.addi %add3A_209, %add3A_210 : i32
      %dma_start3A_212 = arith.constant 0 : i32
      %dma_start3A_213 = arith.constant 0 : i32
      %dma_start3A_214 = tpu.memref_slice %arg4[%add3A_211, %dma_start3A_212, %dma_start3A_213] : memref<16384x50x64xf32, #tpu.memory_space<hbm>> -> memref<2x50x64xf32, #tpu.memory_space<hbm>>
      %dma_start3A_215 = arith.constant 0 : i32
      %dma_start3A_216 = arith.constant 0 : i32
      %dma_start3A_217 = tpu.memref_slice %arg4[%add3A_211, %dma_start3A_215, %dma_start3A_216] : memref<16384x50x64xf32, #tpu.memory_space<hbm>> -> memref<2x50x64xf32, #tpu.memory_space<hbm>>
      tpu.enqueue_dma source(%arg9 : memref<2x50x64xf32, #tpu.memory_space<vmem>>) target(%dma_start3A_217 : memref<2x50x64xf32, #tpu.memory_space<hbm>>) target_semaphore(%arg13 : memref<!tpu.dma_semaphore, #tpu.memory_space<semaphore_mem>>)
      %lt3A_218 = arith.constant 63 : i32
      %lt3A_219 = arith.cmpi slt, %scan3A_64, %lt3A_218 : i32
      %convert_element_type3A_220 = arith.extui %lt3A_219 : i1 to i32
      %cond3A_221 = arith.constant 0 : i32
      %cond3A_222 = arith.cmpi ne, %convert_element_type3A_220, %cond3A_221 : i32
      scf.if %cond3A_222 {
        %add3A_223 = arith.constant 2 : i32
        %add3A_224 = arith.addi %add3A_145, %add3A_223 : i32
        %mul3A_225 = arith.constant 2 : i32
        %mul3A_226 = arith.muli %add3A_224, %mul3A_225 : i32
        %add3A_227 = arith.constant 0 : i32
        %add3A_228 = arith.addi %mul3A_226, %add3A_227 : i32
        %dma_start3A_229 = arith.constant 0 : i32
        %dma_start3A_230 = arith.constant 0 : i32
        %dma_start3A_231 = tpu.memref_slice %arg7[%dma_start3A_229, %dma_start3A_230] : memref<200x128xf32, #tpu.memory_space<vmem>> -> memref<100x128xf32, #tpu.memory_space<vmem>>
        %dma_start3A_232 = arith.constant 0 : i32
        %dma_start3A_233 = tpu.memref_slice %arg5[%add3A_228, %dma_start3A_232] : memref<256x100xi32, #tpu.memory_space<vmem>> -> memref<1x100xi32, #tpu.memory_space<vmem>>
        %dma_start3A_234 = tpu.memref_squeeze %dma_start3A_233 : memref<1x100xi32, #tpu.memory_space<vmem>> -> memref<100xi32, #tpu.memory_space<vmem>>
        %dma_start3A_235 = arith.constant 0 : i32
        %dma_start3A_236 = arith.constant 0 : i32
        %dma_start3A_237 = tpu.memref_slice %arg3[%dma_start3A_235, %dma_start3A_236] : memref<1000000x128xf32, #tpu.memory_space<hbm>> -> memref<1000000x128xf32, #tpu.memory_space<hbm>>
        tpu.enqueue_indirect_dma source(%dma_start3A_237 : memref<1000000x128xf32, #tpu.memory_space<hbm>>) target(%dma_start3A_231 : memref<100x128xf32, #tpu.memory_space<vmem>>) offsets(%dma_start3A_234 : memref<100xi32, #tpu.memory_space<vmem>>) semaphore(%arg11 : memref<!tpu.dma_semaphore, #tpu.memory_space<semaphore_mem>>)
        %mul3A_238 = arith.constant 2 : i32
        %mul3A_239 = arith.muli %add3A_224, %mul3A_238 : i32
        %add3A_240 = arith.constant 1 : i32
        %add3A_241 = arith.addi %mul3A_239, %add3A_240 : i32
        %dma_start3A_242 = arith.constant 100 : i32
        %dma_start3A_243 = arith.constant 0 : i32
        %dma_start3A_244 = tpu.memref_slice %arg7[%dma_start3A_242, %dma_start3A_243] : memref<200x128xf32, #tpu.memory_space<vmem>> -> memref<100x128xf32, #tpu.memory_space<vmem>>
        %dma_start3A_245 = arith.constant 0 : i32
        %dma_start3A_246 = tpu.memref_slice %arg5[%add3A_241, %dma_start3A_245] : memref<256x100xi32, #tpu.memory_space<vmem>> -> memref<1x100xi32, #tpu.memory_space<vmem>>
        %dma_start3A_247 = tpu.memref_squeeze %dma_start3A_246 : memref<1x100xi32, #tpu.memory_space<vmem>> -> memref<100xi32, #tpu.memory_space<vmem>>
        %dma_start3A_248 = arith.constant 0 : i32
        %dma_start3A_249 = arith.constant 0 : i32
        %dma_start3A_250 = tpu.memref_slice %arg3[%dma_start3A_248, %dma_start3A_249] : memref<1000000x128xf32, #tpu.memory_space<hbm>> -> memref<1000000x128xf32, #tpu.memory_space<hbm>>
        tpu.enqueue_indirect_dma source(%dma_start3A_250 : memref<1000000x128xf32, #tpu.memory_space<hbm>>) target(%dma_start3A_244 : memref<100x128xf32, #tpu.memory_space<vmem>>) offsets(%dma_start3A_247 : memref<100xi32, #tpu.memory_space<vmem>>) semaphore(%arg11 : memref<!tpu.dma_semaphore, #tpu.memory_space<semaphore_mem>>)
      } else {
      }
    }
    %scan3A_48 = arith.constant 64 : i32
    %dma_wait3A = arith.constant 0 : i32
    %dma_wait3A_49 = arith.constant 0 : i32
    %dma_wait3A_50 = arith.constant 0 : i32
    %dma_wait3A_51 = tpu.memref_slice %arg4[%dma_wait3A, %dma_wait3A_49, %dma_wait3A_50] : memref<16384x50x64xf32, #tpu.memory_space<hbm>> -> memref<2x50x64xf32, #tpu.memory_space<hbm>>
    %dma_wait3A_52 = arith.constant 0 : i32
    %dma_wait3A_53 = arith.constant 0 : i32
    %dma_wait3A_54 = arith.constant 0 : i32
    %dma_wait3A_55 = tpu.memref_slice %arg4[%dma_wait3A_52, %dma_wait3A_53, %dma_wait3A_54] : memref<16384x50x64xf32, #tpu.memory_space<hbm>> -> memref<2x50x64xf32, #tpu.memory_space<hbm>>
    tpu.wait_dma2 semaphore(%arg12 : memref<!tpu.dma_semaphore, #tpu.memory_space<semaphore_mem>>) src(%arg8 : memref<2x50x64xf32, #tpu.memory_space<vmem>>) dst(%dma_wait3A_55 : memref<2x50x64xf32, #tpu.memory_space<hbm>>)
    %dma_wait3A_56 = arith.constant 0 : i32
    %dma_wait3A_57 = arith.constant 0 : i32
    %dma_wait3A_58 = arith.constant 0 : i32
    %dma_wait3A_59 = tpu.memref_slice %arg4[%dma_wait3A_56, %dma_wait3A_57, %dma_wait3A_58] : memref<16384x50x64xf32, #tpu.memory_space<hbm>> -> memref<2x50x64xf32, #tpu.memory_space<hbm>>
    %dma_wait3A_60 = arith.constant 0 : i32
    %dma_wait3A_61 = arith.constant 0 : i32
    %dma_wait3A_62 = arith.constant 0 : i32
    %dma_wait3A_63 = tpu.memref_slice %arg4[%dma_wait3A_60, %dma_wait3A_61, %dma_wait3A_62] : memref<16384x50x64xf32, #tpu.memory_space<hbm>> -> memref<2x50x64xf32, #tpu.memory_space<hbm>>
    tpu.wait_dma2 semaphore(%arg13 : memref<!tpu.dma_semaphore, #tpu.memory_space<semaphore_mem>>) src(%arg9 : memref<2x50x64xf32, #tpu.memory_space<vmem>>) dst(%dma_wait3A_63 : memref<2x50x64xf32, #tpu.memory_space<hbm>>)
    return
  }
}

</mosaic_0001>

<sc_bundles>
// kernel: kernel.3.cloned.1.call-start
scs
__scs_entry_jumppad:
0x0: {  	(pc) =	sbr.rel $0x88, $3  }
0x1: {  	(tag) =	ssettag $0x0;
	lr =	simm.s32 $0x1  }
0x2: {  	[smem:$0x3F9F] =	sst lr;
	_ =	strace $0xD0000000  }
0x3: {  	_ = 	snop  }
0x4: {  	_ = 	snop  }
0x5: {  	_ = 	snop  }
0x6: {  	_ = 	snop  }
0x7: {  	_ = 	snop  }
__scs_overlays_trampoline_lowered:
0x8: {  	[smem:$0x3FAE] =	sst s0  }
0x9: {  	[smem:$0x3FAF] =	sst s1  }
0xa: {  	[smem:$0x3FB0] =	sst s2  }
0xb: {  	[smem:$0x3FB1] =	sst s3  }
0xc: {  	[smem:$0x3FB2] =	sst s4  }
0xd: {  	[smem:$0x3FB3] =	sst s5  }
0xe: {  	[smem:$0x3FB4] =	sst s6  }
0xf: {  	[smem:$0x3FB5] =	sst s7  }
0x10: {  	[smem:$0x3FB6] =	sst s8  }
0x11: {  	[smem:$0x3FB7] =	sst s9;
	s0 =	simm.s32 @!p0 $0x0  }
0x12: {  	s1 =	sld [smem:$0x3F9D];
	s0 =	simm.s32 @p0 $0x1  }
0x13: {  	[smem:$0x3FB8] =	sst s0;
	s0 =	simm.s32 @!p1 $0x0  }
0x14: {  	s2 =	sld [smem:$0x3F9C];
	s0 =	simm.s32 @p1 $0x1  }
0x15: {  	[smem:$0x3FB9] =	sst s0;
	s0 =	simm.s32 @!p2 $0x0  }
0x16: {  	s3 =	sld [smem:$0x3FDB];
	s0 =	simm.s32 @p2 $0x1  }
0x17: {  	s4 =	simm.s32 $0x1BF5;
	[smem:$0x3FBB] =	sst s0  }
0x18: {  	s0 =	sld [smem:$0x3F9E];
	_ =	swait.ge [sflag:s4], $0x0  }
0x19: {  	s7 =	sld [smem:$0x3F9F]  }
0x1a: {  	s8 =	sadd.s32 $0xFFFFE003, lr  }
0x1b: {  	s9 =	sadd.s32 $0xFFFFFEF7, lr;
	s5 =	simm.s32 $0xFFFFFFFF;
	p2 =	slt.u32 s8, $0xFFFFF086  }
0x1c: {  	p1 =	slt.u32 s9, $0xF7A;
	s5 =	simm.s32 @!p2 $0x0  }
0x1d: {  	s5 =	simm.s32 @p1 $0x1;
	p0 =	seq.s32 s7, s2  }
0x1e: {  	s7 =	smul.u32 @!p0 $0xF7A, s2;
	p2 =	seq.s32 @!p0 s5, $0x0  }
0x1f: {  	s9 =	smul.u32 $0xF7A, s1;
	s8 =	simm.s32 @!p0 $0x1BF5;
	p2 =	por !p2, p0  }
0x20: {  	[sflag:s8] =	ssyncset.s32 @!p0 $0xFFFFF086;
	s6 =	sadd.s32 @!p0 s3, s7;
	s7 =	simm.s32 @!p0 $0x108  }
0x21: {  	s3 =	sadd.s32 s3, s9;
	s6 =	sadd.s32 @!p0 $0x88, s6;
	s7 =	simm.s32 @p2 $0x1082  }
0x22: {  	[simem:s7], [sflag:s8] =	dma.local @!p0 [hbm:s6], $0xF7A  }
0x23: {  	s9 =	sor.u32 $0xD0000000, s2;
	s6 =	simm.s32 $0x108;
	_ =	swait.ge @!p0 [sflag:s8], $0x0  }
0x24: {  	s3 =	sadd.s32 $0x88, s3;
	s6 =	simm.s32 @!p1 $0x1082;
	[sflag:s4] =	ssyncset.s32 $0xFFFFF086  }
0x25: {  	[simem:s6], [sflag:s4] =	dma.local [hbm:s3], $0xF7A  }
0x26: {  	[smem:$0x3F9F] =	sst s1;
	(tag) =	ssettag s2;
	_ =	strace s9  }
0x27: {  	s1 =	sld [smem:$0x3FAF]  }
0x28: {  	s2 =	sld [smem:$0x3FB0]  }
0x29: {  	s4 =	sld [smem:$0x3FB2]  }
0x2a: {  	p0 =	seq.s32 s5, $0x0;
	s5 =	sld [smem:$0x3FB3]  }
0x2b: {  	s6 =	sld [smem:$0x3FB4]  }
0x2c: {  	s7 =	sld [smem:$0x3FB5]  }
0x2d: {  	s3 =	simm.s32 $0x108;
	s8 =	sld [smem:$0x3FB6]  }
0x2e: {  	s3 =	simm.s32 @!p0 $0x1082;
	s9 =	sld [smem:$0x3FB7]  }
0x2f: {  	lr =	sadd.s32 s0, s3;
	s0 =	sld [smem:$0x3FAE]  }
0x30: {  	s3 =	sld [smem:$0x3FB1]  }
0x31: {  	[smem:$0x3FBA] =	sst s10  }
0x32: {  	s10 =	sld [smem:$0x3FB8];
	_ =	sdelay $0x3  }
0x33: {  	p0 =	seq.s32 s10, $0x1;
	s10 =	sld [smem:$0x3FBA];
	_ =	sdelay $0x3  }
0x34: {  	[smem:$0x3FBA] =	sst s10  }
0x35: {  	s10 =	sld [smem:$0x3FB9];
	_ =	sdelay $0x3  }
0x36: {  	p1 =	seq.s32 s10, $0x1;
	s10 =	sld [smem:$0x3FBA];
	_ =	sdelay $0x3  }
0x37: {  	[smem:$0x3FBA] =	sst s10  }
0x38: {  	s10 =	sld [smem:$0x3FBB]  }
0x39: {  	_ = 	snop;
	(pc) =	sbr.ind lr, $3  }
0x3a: {  	_ = 	snop  }
0x3b: {  	_ = 	snop  }
0x3c: {  	p2 =	seq.s32 s10, $0x1;
	s10 =	sld [smem:$0x3FBA]  }
0x3d: {  	_ =	shalt  }
0x3e: {  	_ =	shalt  }
0x3f: {  	_ =	shalt  }
0x40: {  	_ =	shalt  }
0x41: {  	_ =	shalt  }
0x42: {  	_ =	shalt  }
0x43: {  	_ =	shalt  }
0x44: {  	_ =	shalt  }
0x45: {  	_ =	shalt  }
0x46: {  	_ =	shalt  }
0x47: {  	_ =	shalt  }
0x48: {  	_ =	shalt  }
0x49: {  	_ =	shalt  }
0x4a: {  	_ =	shalt  }
0x4b: {  	_ =	shalt  }
0x4c: {  	_ =	shalt  }
0x4d: {  	_ =	shalt  }
0x4e: {  	_ =	shalt  }
0x4f: {  	_ =	shalt  }
0x50: {  	_ =	shalt  }
0x51: {  	_ =	shalt  }
0x52: {  	_ =	shalt  }
0x53: {  	_ =	shalt  }
0x54: {  	_ =	shalt  }
0x55: {  	_ =	shalt  }
0x56: {  	_ =	shalt  }
0x57: {  	_ =	shalt  }
0x58: {  	_ =	shalt  }
0x59: {  	_ =	shalt  }
0x5a: {  	_ =	shalt  }
0x5b: {  	_ =	shalt  }
0x5c: {  	_ =	shalt  }
0x5d: {  	_ =	shalt  }
0x5e: {  	_ =	shalt  }
0x5f: {  	_ =	shalt  }
0x60: {  	_ =	shalt  }
0x61: {  	_ =	shalt  }
0x62: {  	_ =	shalt  }
0x63: {  	_ =	shalt  }
0x64: {  	_ =	shalt  }
0x65: {  	_ =	shalt  }
0x66: {  	_ =	shalt  }
0x67: {  	_ =	shalt  }
0x68: {  	_ =	shalt  }
0x69: {  	_ =	shalt  }
0x6a: {  	_ =	shalt  }
0x6b: {  	_ =	shalt  }
0x6c: {  	_ =	shalt  }
0x6d: {  	_ =	shalt  }
0x6e: {  	_ =	shalt  }
0x6f: {  	_ =	shalt  }
0x70: {  	_ =	shalt  }
0x71: {  	_ =	shalt  }
0x72: {  	_ =	shalt  }
0x73: {  	_ =	shalt  }
0x74: {  	_ =	shalt  }
0x75: {  	_ =	shalt  }
0x76: {  	_ =	shalt  }
0x77: {  	_ =	shalt  }
0x78: {  	_ =	shalt  }
0x79: {  	_ =	shalt  }
0x7a: {  	_ =	shalt  }
0x7b: {  	_ =	shalt  }
0x7c: {  	_ =	shalt  }
0x7d: {  	_ =	shalt  }
0x7e: {  	_ =	shalt  }
0x7f: {  	_ =	shalt  }
0x80: {  	_ =	shalt  }
0x81: {  	_ =	shalt  }
0x82: {  	_ =	shalt  }
0x83: {  	_ =	shalt  }
0x84: {  	_ =	shalt  }
0x85: {  	_ =	shalt  }
0x86: {  	_ =	shalt  }
0x87: {  	_ =	shalt  }
.Lfunc_end0:
.L_simem_size_0:
called_computation_lowered:
.L_overlay_start_0:
0x88: {  	s2 =	sld [smem:$0x3FD9]  }
0x89: {  	s3 =	sld [smem:$0x3FFE];
	_ =	sdelay $0x1  }
0x8a: {  	s1 =	srdreg.scid  }
0x8b: {  	s0 =	sand.u32 $0x1, s1  }
0x8c: {  	s17 =	sshll.u32 s0, $0xA;
	s2 =	sadd.s32 s3, s2  }
0x8d: {  	s2 =	sadd.s32 s2, s17  }
0x8e: {  	[smem:$0x3FC6] =	sst s2  }
0x8f: {  	_ = 	snop  }
0x90: {  	s2 =	sld [smem:$0x3FD0];
	(tm) =	ssettm $0x1  }
0x91: {  	s18 =	sld [smem:$0x3FFB];
	_ =	sdelay $0x3  }
0x92: {  	_ =	strace s18  }
0x93: {  	s3 =	sld [smem:$0x3FFC];
	_ =	sdelay $0x3  }
0x94: {  	_ =	strace s3  }
0x95: {  	s3 =	sld [smem:$0x3FFD];
	_ =	sdelay $0x3  }
0x96: {  	_ =	strace s3  }
0x97: {  	_ =	strace $0x8FFFFFFF  }
0x98: {  	s19 =	sld [smem:$0x3FDB];
	_ =	sdelay $0x1  }
0x99: {  	s4 =	simm.s32 $_scs_section_size  }
0x9a: {  	s5 =	simm.s32 $_size__tile_overlayer_lowered;
	s6 =	simm.s32 $_tile_overlayer_lowered  }
0x9b: {  	s22 =	simm.s32 $0x1BFF;
	s21 =	sshll.u32 s6, $0x1;
	s3 =	sadd.s32 s4, s19  }
0x9c: {  	s7 =	simm.s32 $0x0;
	s20 =	sshll.u32 s5, $0x1;
	s5 =	sadd.s32 s21, s3  }
0x9d: {  	[timem:s7], [sflag:s22] =	dma.local [hbm:s5], s20  }
0x9e: {  	_ =	swait.ge [sflag:s22], s20  }
0x9f: {  	s4 =	ssub.s32 $0x0, s20;
	[sflag:s22] =	ssyncset.done $0x0  }
0xa0: {  	[sflag:s22] =	ssyncadd.s32 s4;
	_ =	sdelay $0x1  }
0xa1: {  	s23 =	simm.s32 $0x1B8B  }
0xa2: {  	_ =	swait.ge [sflag:s23], $0x1  }
0xa3: {  	[sflag:s23] =	ssyncset.done $0x0  }
0xa4: {  	s25 =	simm.s32 $0x1B8E;
	s24 =	sld [smem:$0x3FFE];
	[sflag:s23] =	ssyncadd.s32 $0xFFFFFFFF  }
0xa5: {  	s26 =	simm.s32 $execute0_lowered;
	[smem:$0x3FD2] =	sst s25  }
0xa6: {  	s5 =	sshll.u32 s26, $0x1;
	_ =	strace $0x80000046;
	[dreg:$0x1] =	wrdreg $0xFFFFFFFF  }
0xa7: {  	s28 =	simm.s32 $_size_execute0_lowered;
	s3 =	sadd.s32 s3, s5;
	[dreg:$0x0] =	wrdreg $0x0  }
0xa8: {  	s5 =	sshll.u32 s28, $0x1;
	[dreg:$0x2] =	wrdreg s3  }
0xa9: {  	[dreg:$0x3] =	wrdreg s5  }
0xaa: {  	[dreg:$0x4] =	wrdreg $0xC0  }
0xab: {  	_ =	task [dreg:s7], $0x5FFFF  }
0xac: {  	[dreg:$0x1] =	wrdreg $0xFFFFFFFF  }
0xad: {  	[dreg:$0x0] =	wrdreg $0x60  }
0xae: {  	[dreg:$0x2] =	wrdreg s2  }
0xaf: {  	[dreg:$0x3] =	wrdreg s24  }
0xb0: {  	[dreg:$0x4] =	wrdreg $0x9  }
0xb1: {  	_ =	task.clear_ibuf [dreg:s7], $0x5FFFF;
	_ =	strace $0x90000046  }
0xb2: {  	s29 =	simm.s32 $0x9;
	_ =	strace $0x80000048  }
0xb3: {  	_ =	swait.ge [sflag:s29], $0x1  }
0xb4: {  	[sflag:s29] =	ssyncadd.s32 $0xFFFFFFFF  }
0xb5: {  	_ =	strace $0x90000048  }
0xb6: {  	_ =	sfence  }
0xb7: {  	s30 =	sld [smem:$0x0];
	_ =	sdelay $0x2  }
0xb8: {  	s31 =	sshll.u32 s1, $0xD;
	s1 =	sshrl.u32 s1, $0x2  }
0xb9: {  	s3 =	sand.u32 $0x4000, s31;
	s1 =	sadd.s32 s1, s30  }
0xba: {  	s0 =	sor.u32 s3, s0;
	s1 =	sshll.u32 s1, $0x11  }
0xbb: {  	s0 =	sor.u32 s1, s0  }
0xbc: {  	s0 =	sadd.s32 $0x8F2B, s0  }
0xbd: {  	[sflag:s0] =	ssyncadd.remote.s32 $0x1  }
0xbe: {  	_ =	sfence.sel $0xFFFF  }
0xbf: {  	[dreg:$0x0] =	wrdreg $0xFFFFFFFF;
	(pc) =	sbr.abs _section_cstart, $3  }
0xc0: {  	[dreg:$0x1] =	wrdreg $0xFFFFFFFF  }
0xc1: {  	_ =	task.clear_ibuf [dreg:s7], $0x2FFFF;
	_ =	strace $0x9FFFFFFF  }
0xc2: {  	(tm) =	ssettm $0x7FFFFFFF  }
0xc3: {  	_ =	shalt  }
tec
execute0_lowered:
.L_overlay_start_1:
0x0: {  	(tag) =	ssettag $0x1  }
0x1: {  	s6 =	rddreg [dreg:$0x0]  }
0x2: {  	s4 =	rddreg [dreg:$0x1]  }
0x3: {  	s2 =	simm.s32 $0x0;
	s3 =	srdreg.scid;
	s1 =	stileid.u32  }
0x4: {  	s10 =	simm.s32 $0x8000;
	s11 =	simm.s32 $0x80;
	s12 =	simm.s32 $0xB200  }
0x5: {  	s13 =	simm.s32 $0x100;
	s14 =	simm.s32 $0xE400;
	s15 =	simm.s32 $0x180  }
0x6: {  	s16 =	simm.s32 $0x11600;
	s17 =	simm.s32 $0x1;
	s18 =	simm.s32 $0x14800  }
0x7: {  	s19 =	simm.s32 $0x16400;
	s20 =	simm.s32 $0x18000;
	s21 =	simm.s32 $0x19C00  }
0x8: {  	s22 =	simm.s32 $0x2;
	s23 =	simm.s32 $0x3;
	s24 =	simm.s32 $0x4  }
0x9: {  	s25 =	simm.s32 $0x0;
	[smem:$0x7FF] =	sst s2;
	s5 =	sand.u32 $0x1, s3  }
.Ltmp0:
0xa: {  	s8 =	sshll.u32 s1, $0x1;
	s3 =	sadd.s32 $0xF42A00, s4;
	(pc) =	sbr.rel .LBB2_1-.Ltmp0, $4  }
0xb: {  	s4 =	sadd.s32 $0x600, s4;
	s7 =	ssub.s32 $0x2, s5;
	s5 =	sor.u32 s5, s8  }
0xc: {  	_ =	strace $0x80000047;
	s9 =	sshrl.u32 s7, $0x1;
	s8 =	sshll.u32 s5, $0xC  }
0xd: {  	s5 =	sshll.u32 s5, $0x9;
	s7 =	ssub.s32 s7, s9;
	s6 =	sadd.s32 s6, s8  }
0xe: {  	s8 =	simm.s32 $0x5;
	s9 =	simm.s32 $0x64;
	s7 =	smax.u32 s7, $0x1  }
.LBB2_20:
0xf: {  	s25 =	sadd.s32 $0x1, s25  }
0x10: {  	_ =	swait.ge [sflag:s23], $0x3200;
	p0 =	sne.s32 s25, s7  }
.Ltmp1:
0x11: {  	[sflag:s23] =	ssyncset.done $0x0;
	(pc) =	sbr.rel @!p0 .LBB2_21-.Ltmp1, $4  }
0x12: {  	[sflag:s23] =	ssyncadd.s32 $0xFFFFCE00  }
0x13: {  	_ =	swait.ge [sflag:s24], $0x3200  }
0x14: {  	[sflag:s24] =	ssyncset.done $0x0  }
0x15: {  	[sflag:s24] =	ssyncadd.s32 $0xFFFFCE00  }
.LBB2_1:
0x16: {  	[tilespmem:s2], [sflag:$0x5] =	stream.linear.gather [hbm4b:s6+s2], $0x8000, $0x38;
	[tilespmem:$0x1B800] =	vst v63  }
0x17: {  	_ =	swait.ge [sflag:s8], $0x8000  }
0x18: {  	[sflag:s8] =	ssyncset.done $0x0  }
0x19: {  	[sflag:s8] =	ssyncadd.s32 $0xFFFF8000  }
0x1a: {  	[tilespmem:s10], [sflag:$0x1] =	stream.indirect.gather [hbm4b:s3+s9], $0x80, s2, s9, $0xb8;
	[tilespmem:$0x1B800] =	vst v63  }
0x1b: {  	_ = 	snop  }
0x1c: {  	[tilespmem:s12], [sflag:$0x1] =	stream.indirect.gather [hbm4b:s3+s9], $0x80, s11, s9, $0xb8;
	[tilespmem:$0x1B800] =	vst v63  }
0x1d: {  	_ = 	snop  }
0x1e: {  	[tilespmem:s14], [sflag:$0x2] =	stream.indirect.gather [hbm4b:s3+s9], $0x80, s13, s9, $0xb8;
	[tilespmem:$0x1B800] =	vst v63  }
0x1f: {  	s26 =	simm.s32 $0x0  }
0x20: {  	[tilespmem:s16], [sflag:$0x2] =	stream.indirect.gather [hbm4b:s3+s9], $0x80, s15, s9, $0xb8;
	[tilespmem:$0x1B800] =	vst v63  }
.LBB2_2:
0x21: {  	_ =	swait.ge [sflag:s17], $0x3200  }
0x22: {  	[sflag:s17] =	ssyncset.done $0x0  }
0x23: {  	[sflag:s17] =	ssyncadd.s32 $0xFFFFCE00  }
0x24: {  	_ =	swait.ge [sflag:s17], $0x3200  }
0x25: {  	p0 =	seq.s32 s26, $0x0;
	[sflag:s17] =	ssyncset.done $0x0  }
0x26: {  	s28 =	simm.s32 @!p0 $0x3;
	[sflag:s17] =	ssyncadd.s32 $0xFFFFCE00  }
0x27: {  	_ =	swait.ge @!p0 [sflag:s28], $0x3200  }
0x28: {  	[sflag:s28] =	ssyncset.done @!p0 $0x0  }
0x29: {  	s29 =	simm.s32 $0x0;
	[sflag:s28] =	ssyncadd.s32 @!p0 $0xFFFFCE00  }
0x2a: {  	v0 =	vld [tilespmem:s29+$0x8030]  }
0x2b: {  	v1 =	vld [tilespmem:s29+$0x8000]  }
0x2c: {  	v2 =	vld [tilespmem:s29+$0x8010]  }
0x2d: {  	s30 =	simm.s32 $0x200;
	s28 =	simm.s32 $0x0;
	v3 =	vld [tilespmem:s29+$0x8020]  }
.LBB2_3:
0x2e: {  	p1 =	sne.s32 s30, $0x6200  }
.Ltmp2:
0x2f: {  	s31 =	sshra.s32 s30, $0x2;
	s30 =	sadd.s32 $0x200, s30;
	[tilespmem:s28+$0x14830] =	vst v0;
	(pc) =	sbr.rel @p1 .LBB2_3-.Ltmp2, $4  }
0x30: {  	v0 =	vld [tilespmem:s31+$0x8030];
	[tilespmem:s28+$0x14800] =	vst v1  }
0x31: {  	v1 =	vld [tilespmem:s31+$0x8000];
	[tilespmem:s28+$0x14810] =	vst v2  }
0x32: {  	v2 =	vld [tilespmem:s31+$0x8010];
	[tilespmem:s28+$0x14820] =	vst v3;
	s28 =	smov.u32 s31  }
0x33: {  	v3 =	vld [tilespmem:s28+$0x8020]  }
0x34: {  	_ = 	snop  }
0x35: {  	[tilespmem:s28+$0x14830] =	vst v0  }
0x36: {  	[tilespmem:s28+$0x14800] =	vst v1  }
0x37: {  	[tilespmem:s28+$0x14810] =	vst v2  }
0x38: {  	[tilespmem:s28+$0x14820] =	vst v3  }
0x39: {  	v2 =	vld [tilespmem:s29+$0x9930]  }
0x3a: {  	v1 =	vld [tilespmem:s29+$0x9900]  }
0x3b: {  	v0 =	vld [tilespmem:s29+$0x9910]  }
0x3c: {  	s28 =	simm.s32 $0x200;
	v3 =	vld [tilespmem:s29+$0x9920]  }
.LBB2_5:
0x3d: {  	p1 =	sne.s32 s28, $0x6200  }
.Ltmp3:
0x3e: {  	s30 =	sshra.s32 s28, $0x2;
	s28 =	sadd.s32 $0x200, s28;
	[tilespmem:s29+$0x16430] =	vst v2;
	(pc) =	sbr.rel @p1 .LBB2_5-.Ltmp3, $4  }
0x3f: {  	v2 =	vld [tilespmem:s30+$0x9930];
	[tilespmem:s29+$0x16400] =	vst v1  }
0x40: {  	v1 =	vld [tilespmem:s30+$0x9900];
	[tilespmem:s29+$0x16410] =	vst v0  }
0x41: {  	v0 =	vld [tilespmem:s30+$0x9910];
	[tilespmem:s29+$0x16420] =	vst v3;
	s29 =	smov.u32 s30  }
0x42: {  	v3 =	vld [tilespmem:s29+$0x9920]  }
0x43: {  	s28 =	sshll.u32 s26, $0x3  }
0x44: {  	[tilespmem:s29+$0x16430] =	vst v2;
	s28 =	sor.u32 s5, s28  }
0x45: {  	[tilespmem:s29+$0x16400] =	vst v1;
	s30 =	smul.u32 $0x380, s28  }
0x46: {  	[tilespmem:s29+$0x16410] =	vst v0  }
0x47: {  	[tilespmem:s29+$0x16420] =	vst v3;
	s29 =	sadd.s32 s4, s30  }
0x48: {  	[hbm4b:s29+s2] =	stream.linear.scatter [tilespmem:s18], [sflag:$0x3], $0x1900, $0x38;
	[tilespmem:$0x1B800] =	vst v63  }
0x49: {  	s29 =	sadd.s32 $0x380, s29  }
0x4a: {  	[hbm4b:s29+s2] =	stream.linear.scatter [tilespmem:s19], [sflag:$0x3], $0x1900, $0x38;
	[tilespmem:$0x1B800] =	vst v63  }
0x4b: {  	s29 =	simm.s32 @!p0 $0x4  }
0x4c: {  	_ =	swait.ge @!p0 [sflag:s29], $0x3200  }
0x4d: {  	[sflag:s29] =	ssyncset.done @!p0 $0x0  }
0x4e: {  	[sflag:s29] =	ssyncadd.s32 @!p0 $0xFFFFCE00;
	s29 =	simm.s32 $0x0  }
0x4f: {  	v0 =	vld [tilespmem:s29+$0xB230]  }
0x50: {  	v1 =	vld [tilespmem:s29+$0xB200]  }
0x51: {  	v2 =	vld [tilespmem:s29+$0xB210]  }
0x52: {  	s31 =	simm.s32 $0x200;
	s30 =	simm.s32 $0x0;
	v3 =	vld [tilespmem:s29+$0xB220]  }
.LBB2_7:
0x53: {  	p0 =	sne.s32 s31, $0x6200  }
.Ltmp4:
0x54: {  	s0 =	sshra.s32 s31, $0x2;
	s31 =	sadd.s32 $0x200, s31;
	[tilespmem:s30+$0x18030] =	vst v0;
	(pc) =	sbr.rel @p0 .LBB2_7-.Ltmp4, $4  }
0x55: {  	v0 =	vld [tilespmem:s0+$0xB230];
	[tilespmem:s30+$0x18000] =	vst v1  }
0x56: {  	v1 =	vld [tilespmem:s0+$0xB200];
	[tilespmem:s30+$0x18010] =	vst v2  }
0x57: {  	v2 =	vld [tilespmem:s0+$0xB210];
	[tilespmem:s30+$0x18020] =	vst v3;
	s30 =	smov.u32 s0  }
0x58: {  	v3 =	vld [tilespmem:s30+$0xB220]  }
0x59: {  	_ = 	snop  }
0x5a: {  	[tilespmem:s30+$0x18030] =	vst v0  }
0x5b: {  	[tilespmem:s30+$0x18000] =	vst v1  }
0x5c: {  	[tilespmem:s30+$0x18010] =	vst v2  }
0x5d: {  	[tilespmem:s30+$0x18020] =	vst v3  }
0x5e: {  	v1 =	vld [tilespmem:s29+$0xCB30]  }
0x5f: {  	v2 =	vld [tilespmem:s29+$0xCB00]  }
0x60: {  	v0 =	vld [tilespmem:s29+$0xCB10]  }
0x61: {  	s30 =	simm.s32 $0x200;
	v3 =	vld [tilespmem:s29+$0xCB20]  }
.LBB2_9:
0x62: {  	p0 =	sne.s32 s30, $0x6200  }
.Ltmp5:
0x63: {  	s0 =	sshra.s32 s30, $0x2;
	s30 =	sadd.s32 $0x200, s30;
	[tilespmem:s29+$0x19C30] =	vst v1;
	(pc) =	sbr.rel @p0 .LBB2_9-.Ltmp5, $4  }
0x64: {  	v1 =	vld [tilespmem:s0+$0xCB30];
	[tilespmem:s29+$0x19C00] =	vst v2  }
0x65: {  	v2 =	vld [tilespmem:s0+$0xCB00];
	[tilespmem:s29+$0x19C10] =	vst v0  }
0x66: {  	v0 =	vld [tilespmem:s0+$0xCB10];
	[tilespmem:s29+$0x19C20] =	vst v3;
	s29 =	smov.u32 s0  }
0x67: {  	v3 =	vld [tilespmem:s29+$0xCB20]  }
0x68: {  	s0 =	smul.u32 $0x1C00, s28  }
0x69: {  	[tilespmem:s29+$0x19C30] =	vst v1  }
0x6a: {  	[tilespmem:s29+$0x19C00] =	vst v2;
	s0 =	sshrl.u32 s0, $0x3  }
0x6b: {  	[tilespmem:s29+$0x19C10] =	vst v0;
	s0 =	sadd.s32 s4, s0  }
0x6c: {  	[tilespmem:s29+$0x19C20] =	vst v3;
	s29 =	sadd.s32 $0x700, s0  }
0x6d: {  	[hbm4b:s29+s2] =	stream.linear.scatter [tilespmem:s20], [sflag:$0x4], $0x1900, $0x38;
	[tilespmem:$0x1B800] =	vst v63  }
0x6e: {  	p0 =	seq.s32 s26, $0x3F;
	s0 =	sadd.s32 $0xA80, s0  }
0x6f: {  	[hbm4b:s0+s2] =	stream.linear.scatter [tilespmem:s21], [sflag:$0x4], $0x1900, $0x38;
	[tilespmem:$0x1B800] =	vst v63  }
0x70: {  	s0 =	sshll.u32 @!p0 s26, $0x9  }
0x71: {  	s0 =	sand.u32 @!p0 $0x3FFFFE00, s0  }
0x72: {  	s30 =	simm.s32 @!p0 $0x64;
	s31 =	simm.s32 @!p0 $0x8000;
	s29 =	sadd.s32 @!p0 $0x200, s0  }
0x73: {  	[tilespmem:s31], [sflag:$0x1] =	stream.indirect.gather @!p0 [hbm4b:s3+s30], $0x80, s29, s30, $0xb8;
	[tilespmem:$0x1B800] =	vst v63  }
0x74: {  	s0 =	sadd.s32 @!p0 $0x280, s0;
	s29 =	simm.s32 @!p0 $0xB200  }
0x75: {  	[tilespmem:s29], [sflag:$0x1] =	stream.indirect.gather @!p0 [hbm4b:s3+s30], $0x80, s0, s30, $0xb8;
	[tilespmem:$0x1B800] =	vst v63  }
0x76: {  	_ =	swait.ge [sflag:s22], $0x3200  }
0x77: {  	[sflag:s22] =	ssyncset.done $0x0  }
0x78: {  	[sflag:s22] =	ssyncadd.s32 $0xFFFFCE00  }
0x79: {  	_ =	swait.ge [sflag:s22], $0x3200  }
0x7a: {  	[sflag:s22] =	ssyncset.done $0x0  }
0x7b: {  	[sflag:s22] =	ssyncadd.s32 $0xFFFFCE00  }
0x7c: {  	_ =	swait.ge [sflag:s23], $0x3200  }
0x7d: {  	[sflag:s23] =	ssyncset.done $0x0  }
0x7e: {  	s29 =	simm.s32 $0x0;
	[sflag:s23] =	ssyncadd.s32 $0xFFFFCE00  }
0x7f: {  	v0 =	vld [tilespmem:s29+$0xE430]  }
0x80: {  	v1 =	vld [tilespmem:s29+$0xE400]  }
0x81: {  	v2 =	vld [tilespmem:s29+$0xE410]  }
0x82: {  	s31 =	simm.s32 $0x200;
	s30 =	simm.s32 $0x0;
	v3 =	vld [tilespmem:s29+$0xE420]  }
.LBB2_11:
0x83: {  	p1 =	sne.s32 s31, $0x6200  }
.Ltmp6:
0x84: {  	s0 =	sshra.s32 s31, $0x2;
	s31 =	sadd.s32 $0x200, s31;
	[tilespmem:s30+$0x14830] =	vst v0;
	(pc) =	sbr.rel @p1 .LBB2_11-.Ltmp6, $4  }
0x85: {  	v0 =	vld [tilespmem:s0+$0xE430];
	[tilespmem:s30+$0x14800] =	vst v1  }
0x86: {  	v1 =	vld [tilespmem:s0+$0xE400];
	[tilespmem:s30+$0x14810] =	vst v2  }
0x87: {  	v2 =	vld [tilespmem:s0+$0xE410];
	[tilespmem:s30+$0x14820] =	vst v3;
	s30 =	smov.u32 s0  }
0x88: {  	v3 =	vld [tilespmem:s30+$0xE420]  }
0x89: {  	_ = 	snop  }
0x8a: {  	[tilespmem:s30+$0x14830] =	vst v0  }
0x8b: {  	[tilespmem:s30+$0x14800] =	vst v1  }
0x8c: {  	[tilespmem:s30+$0x14810] =	vst v2  }
0x8d: {  	[tilespmem:s30+$0x14820] =	vst v3  }
0x8e: {  	v2 =	vld [tilespmem:s29+$0xFD30]  }
0x8f: {  	v1 =	vld [tilespmem:s29+$0xFD00]  }
0x90: {  	v0 =	vld [tilespmem:s29+$0xFD10]  }
0x91: {  	s30 =	simm.s32 $0x200;
	v3 =	vld [tilespmem:s29+$0xFD20]  }
.LBB2_13:
0x92: {  	p1 =	sne.s32 s30, $0x6200  }
.Ltmp7:
0x93: {  	s0 =	sshra.s32 s30, $0x2;
	s30 =	sadd.s32 $0x200, s30;
	[tilespmem:s29+$0x16430] =	vst v2;
	(pc) =	sbr.rel @p1 .LBB2_13-.Ltmp7, $4  }
0x94: {  	v2 =	vld [tilespmem:s0+$0xFD30];
	[tilespmem:s29+$0x16400] =	vst v1  }
0x95: {  	v1 =	vld [tilespmem:s0+$0xFD00];
	[tilespmem:s29+$0x16410] =	vst v0  }
0x96: {  	v0 =	vld [tilespmem:s0+$0xFD10];
	[tilespmem:s29+$0x16420] =	vst v3;
	s29 =	smov.u32 s0  }
0x97: {  	v3 =	vld [tilespmem:s29+$0xFD20]  }
0x98: {  	_ = 	snop  }
0x99: {  	s28 =	sor.u32 $0x4, s28;
	[tilespmem:s29+$0x16430] =	vst v2  }
0x9a: {  	s0 =	smul.u32 $0x380, s28;
	[tilespmem:s29+$0x16400] =	vst v1  }
0x9b: {  	[tilespmem:s29+$0x16410] =	vst v0  }
0x9c: {  	s0 =	sadd.s32 s4, s0;
	[tilespmem:s29+$0x16420] =	vst v3;
	s29 =	simm.s32 $0x0  }
0x9d: {  	[hbm4b:s0+s29] =	stream.linear.scatter [tilespmem:s18], [sflag:$0x3], $0x1900, $0x38;
	[tilespmem:$0x1B800] =	vst v63  }
0x9e: {  	s0 =	sadd.s32 $0x380, s0  }
0x9f: {  	[hbm4b:s0+s29] =	stream.linear.scatter [tilespmem:s19], [sflag:$0x3], $0x1900, $0x38;
	[tilespmem:$0x1B800] =	vst v63  }
0xa0: {  	_ =	swait.ge [sflag:s24], $0x3200  }
0xa1: {  	[sflag:s24] =	ssyncset.done $0x0  }
0xa2: {  	s29 =	simm.s32 $0x0;
	[sflag:s24] =	ssyncadd.s32 $0xFFFFCE00  }
0xa3: {  	v0 =	vld [tilespmem:s29+$0x11630]  }
0xa4: {  	v1 =	vld [tilespmem:s29+$0x11600]  }
0xa5: {  	v2 =	vld [tilespmem:s29+$0x11610]  }
0xa6: {  	s31 =	simm.s32 $0x200;
	s30 =	simm.s32 $0x0;
	v3 =	vld [tilespmem:s29+$0x11620]  }
.LBB2_15:
0xa7: {  	p1 =	sne.s32 s31, $0x6200  }
.Ltmp8:
0xa8: {  	s0 =	sshra.s32 s31, $0x2;
	s31 =	sadd.s32 $0x200, s31;
	[tilespmem:s30+$0x18030] =	vst v0;
	(pc) =	sbr.rel @p1 .LBB2_15-.Ltmp8, $4  }
0xa9: {  	v0 =	vld [tilespmem:s0+$0x11630];
	[tilespmem:s30+$0x18000] =	vst v1  }
0xaa: {  	v1 =	vld [tilespmem:s0+$0x11600];
	[tilespmem:s30+$0x18010] =	vst v2  }
0xab: {  	v2 =	vld [tilespmem:s0+$0x11610];
	[tilespmem:s30+$0x18020] =	vst v3;
	s30 =	smov.u32 s0  }
0xac: {  	v3 =	vld [tilespmem:s30+$0x11620]  }
0xad: {  	_ = 	snop  }
0xae: {  	[tilespmem:s30+$0x18030] =	vst v0  }
0xaf: {  	[tilespmem:s30+$0x18000] =	vst v1  }
0xb0: {  	[tilespmem:s30+$0x18010] =	vst v2  }
0xb1: {  	[tilespmem:s30+$0x18020] =	vst v3  }
0xb2: {  	v1 =	vld [tilespmem:s29+$0x12F30]  }
0xb3: {  	v2 =	vld [tilespmem:s29+$0x12F00]  }
0xb4: {  	v0 =	vld [tilespmem:s29+$0x12F10]  }
0xb5: {  	s30 =	simm.s32 $0x200;
	v3 =	vld [tilespmem:s29+$0x12F20]  }
.LBB2_17:
0xb6: {  	p1 =	sne.s32 s30, $0x6200  }
.Ltmp9:
0xb7: {  	s0 =	sshra.s32 s30, $0x2;
	s30 =	sadd.s32 $0x200, s30;
	[tilespmem:s29+$0x19C30] =	vst v1;
	(pc) =	sbr.rel @p1 .LBB2_17-.Ltmp9, $4  }
0xb8: {  	v1 =	vld [tilespmem:s0+$0x12F30];
	[tilespmem:s29+$0x19C00] =	vst v2  }
0xb9: {  	v2 =	vld [tilespmem:s0+$0x12F00];
	[tilespmem:s29+$0x19C10] =	vst v0  }
0xba: {  	v0 =	vld [tilespmem:s0+$0x12F10];
	[tilespmem:s29+$0x19C20] =	vst v3;
	s29 =	smov.u32 s0  }
0xbb: {  	v3 =	vld [tilespmem:s29+$0x12F20]  }
0xbc: {  	s0 =	smul.u32 $0x1C00, s28  }
0xbd: {  	[tilespmem:s29+$0x19C30] =	vst v1  }
0xbe: {  	[tilespmem:s29+$0x19C00] =	vst v2;
	s0 =	sshrl.u32 s0, $0x3  }
.Ltmp10:
0xbf: {  	[tilespmem:s29+$0x19C10] =	vst v0;
	s0 =	sadd.s32 s4, s0;
	(pc) =	sbr.rel @p0 .LBB2_20-.Ltmp10, $4  }
0xc0: {  	[tilespmem:s29+$0x19C20] =	vst v3;
	s31 =	sadd.s32 $0x700, s0  }
0xc1: {  	[hbm4b:s31+s2] =	stream.linear.scatter [tilespmem:s20], [sflag:$0x4], $0x1900, $0x38;
	[tilespmem:$0x1B800] =	vst v63  }
0xc2: {  	s0 =	sadd.s32 $0xA80, s0  }
0xc3: {  	[hbm4b:s0+s2] =	stream.linear.scatter [tilespmem:s21], [sflag:$0x4], $0x1900, $0x38;
	[tilespmem:$0x1B800] =	vst v63  }
0xc4: {  	s0 =	sshll.u32 s26, $0x9  }
.Ltmp11:
0xc5: {  	s0 =	sand.u32 $0x3FFFFE00, s0;
	(pc) =	sbr.rel .LBB2_2-.Ltmp11, $4  }
0xc6: {  	s28 =	sadd.s32 $0x300, s0  }
0xc7: {  	[tilespmem:s14], [sflag:$0x2] =	stream.indirect.gather [hbm4b:s3+s9], $0x80, s28, s9, $0xb8;
	[tilespmem:$0x1B800] =	vst v63  }
0xc8: {  	s26 =	sadd.s32 $0x1, s26;
	s0 =	sadd.s32 $0x380, s0  }
0xc9: {  	[tilespmem:s16], [sflag:$0x2] =	stream.indirect.gather [hbm4b:s3+s9], $0x80, s0, s9, $0xb8;
	[tilespmem:$0x1B800] =	vst v63  }
.LBB2_21:
0xca: {  	_ =	sfence.sel $0x180000  }
0xcb: {  	[bflag:$0x0] =	sbarrier.arrive $0xFFFF  }
0xcc: {  	_ =	strace $0x90000047  }
0xcd: {  	[bflag:$0x2] =	sbarrier.arrive $0xFFFF  }
0xce: {  	p0 =	sne.s32 s1, $0x0;
	s0 =	rddreg [dreg:$0x2]  }
0xcf: {  	s0 =	sadd.s32 @!p0 $0x100000, s0  }
0xd0: {  	[sflag:s0] =	ssyncadd.tile.s32 @!p0 $0x1;
	_ =	shalt  }
.Lfunc_end2:
_tile_overlayer_lowered:
.L_overlay_start_2:
0xd1: {  	(tag) =	ssettag $0x2  }
0xd2: {  	s0 =	rddreg [dreg:$0x0];
	s2 =	stileid.u32  }
0xd3: {  	s1 =	rddreg [dreg:$0x1];
	p0 =	sne.s32 s2, $0x0  }
0xd4: {  	s3 =	rddreg [dreg:$0x2];
	[bflag:$0x3] =	sbarrier.arrive $0xFFFF;
	s2 =	simm.s32 @!p0 $0x1C05  }
0xd5: {  	[timem:s3], [sflag:s2] =	dma.local @!p0 [hbm:s0], s1  }
0xd6: {  	s0 =	simm.s32 @!p0 $0x5  }
0xd7: {  	_ =	swait.ge @!p0 [sflag:s0], s1  }
0xd8: {  	s1 =	ssub.s32 @!p0 $0x0, s1;
	[sflag:s0] =	ssyncset.done @!p0 $0x0  }
0xd9: {  	[sflag:s0] =	ssyncadd.s32 @!p0 s1  }
0xda: {  	[bflag:$0x3] =	sbarrier.arrive $0xFFFF  }
0xdb: {  	_ =	shalt  }

</sc_bundles>
